<compile_context>
chip_gen: v7x
topology: tpu7x:2x2x1
jax: 0.10.2.dev20260603
libtpu: 0.0.44.dev20260713+nightly
codegen_flags: <defaults>
</compile_context>

<pallas_src>
import functools

import jax
import jax.numpy as jnp
from jax import lax
from jax.experimental import pallas as pl
from jax.experimental.pallas import tpu as pltpu
from jax.experimental.pallas import tpu_sc as plsc

B, T, K, D = 16, 2048, 1024, 256
NW = 32
PPW = B * (K // 16) // NW
CR = 42


def _sc_loss(cent_hbm, units_hbm, ul_hbm, c_hbm, out_hbm,
             pan0_v, pan1_v, crows_v, units_v, ul_v, acc_v,
             sem_p0, sem_p1, sem_c):
    cid = lax.axis_index("c")
    sid = lax.axis_index("s")
    wid = sid * 2 + cid

    pltpu.sync_copy(ul_hbm, ul_v)
    lanes = lax.iota(jnp.int32, 16)
    zeros16 = jnp.zeros((16,), jnp.float32)

    def task_ids(i):
        tid = i * NW + wid
        return tid >> 6, tid & 63

    def load_units_row(b):
        uoff = pl.multiple_of(b * T, 16)
        pltpu.sync_copy(units_hbm.at[pl.ds(uoff, T)], units_v.at[pl.ds(0, T)])
        units_v[pl.ds(T, 16)] = jnp.zeros((16,), jnp.int32)

    def issue_panel(i, buf, sem):
        b, p = task_ids(jnp.minimum(i, PPW - 1))
        pltpu.async_copy(cent_hbm.at[b, :, pl.ds(p * 16, 16)], buf, sem)

    def drain_panel(buf, sem):
        pltpu.make_async_copy(
            cent_hbm.at[0, :, pl.ds(0, 16)], buf, sem).wait()

    b0, _ = task_ids(0)
    load_units_row(b0)
    issue_panel(0, pan0_v, sem_p0)

    def do_task(i, pan_v, sem, nxt_pan_v, nxt_sem, acc):
        b, p = task_ids(i)
        bprev, _ = task_ids(jnp.maximum(i - 1, 0))

        @pl.when(jnp.logical_and(i > 0, b != bprev))
        def _():
            load_units_row(b)

        lvec = plsc.load_gather(ul_v, [jnp.full((16,), b, jnp.int32)])
        big_l = jnp.max(lvec)
        k0 = p * 16
        l0 = (k0 * big_l) >> 10
        l0a = pl.multiple_of(l0 & ~7, 8)
        cp_rows = pltpu.async_copy(
            c_hbm.at[units_v.at[pl.ds(l0a, CR)]], crows_v, sem_c)
        drain_panel(pan_v, sem)
        issue_panel(i + 1, nxt_pan_v, nxt_sem)
        cp_rows.wait()

        basevec = (k0 + lanes) * big_l - (l0a << 10)

        def one(t):
            pos = basevec + t
            u = plsc.load_gather(crows_v, [pos >> 10, pos & 1023])
            return jnp.abs(pan_v[t] - u)

        main = big_l & ~7

        @plsc.parallel_loop(0, main, step=8, unroll=2, carry=zeros16)
        def tacc(t, a):
            s0 = (one(t) + one(t + 1)) + (one(t + 2) + one(t + 3))
            s1 = (one(t + 4) + one(t + 5)) + (one(t + 6) + one(t + 7))
            return a + (s0 + s1)

        tacc = lax.fori_loop(main, big_l, lambda t, a: a + one(t), tacc)
        inv = 1.0 / (lvec.astype(jnp.float32) * float(B))
        return acc + tacc * inv

    def pair_body(j, acc):
        i = j * 2
        acc = do_task(i, pan0_v, sem_p0, pan1_v, sem_p1, acc)
        acc = do_task(i + 1, pan1_v, sem_p1, pan0_v, sem_p0, acc)
        return acc

    acc = lax.fori_loop(0, PPW // 2, pair_body, zeros16)
    drain_panel(pan0_v, sem_p0)
    acc_v[...] = acc
    pltpu.sync_copy(acc_v, out_hbm.at[wid])


@jax.jit
def kernel(centroids, units, unit_lengths, C):
    mesh = plsc.VectorSubcoreMesh(core_axis_name="c", subcore_axis_name="s")
    run = functools.partial(
        pl.kernel,
        mesh=mesh,
        out_type=jax.ShapeDtypeStruct((NW, 16), jnp.float32),
        compiler_params=pltpu.CompilerParams(
            use_tc_tiling_on_sc=False, needs_layout_passes=False),
        scratch_types=[
            pltpu.VMEM((T, 16), jnp.float32),
            pltpu.VMEM((T, 16), jnp.float32),
            pltpu.VMEM((CR, K), jnp.float32),
            pltpu.VMEM((T + 16,), jnp.int32),
            pltpu.VMEM((B,), jnp.int32),
            pltpu.VMEM((16,), jnp.float32),
            pltpu.SemaphoreType.DMA,
            pltpu.SemaphoreType.DMA,
            pltpu.SemaphoreType.DMA,
        ],
    )(_sc_loss)
    out = run(centroids, units.reshape(-1), unit_lengths, C)
    return jnp.sum(out)

# --- scband reference (transcript-rebuilt; emitter-appended) ---
"""Pipeline reference for scband-centroid-loss-26517128085920 (READ-ONLY COPY).

The authoritative reference and input builder live on the scoring server;
editing this copy changes nothing except your own understanding.
"""

import jax, jax.numpy as jnp
import numpy as np

B, T, K, D = 16, 2048, 1024, 256

def setup_inputs(seed: int = 0) -> dict:
    key = jax.random.key(seed)
    kc, kC, ku, kl = jax.random.split(key, 4)
    centroids = jax.random.normal(kc, (B, T, K), dtype=jnp.float32)
    # self.C = cluster_centers_.T -> shape [feat_dim D, n_clusters K]
    C = jax.random.normal(kC, (D, K), dtype=jnp.float32)
    # NOTE: the original forward does index_select(C, 0, units), i.e. units index
    # the FIRST axis of C (size D), so unit values must be < D.
    units = jax.random.randint(ku, (B, T), 0, D, dtype=jnp.int32)
    unit_lengths = jax.random.randint(kl, (B,), 1, T + 1, dtype=jnp.int32)
    return {"centroids": centroids, "units": units, "unit_lengths": unit_lengths, "C": C}

def reference(centroids, units, unit_lengths, C):
    # Faithful translation of CentroidLoss.forward (interpreting
    # `B = unit_lengths.shape` as the batch size, as intended).
    Bn = unit_lengths.shape[0]
    i = jnp.arange(K)[:, None]
    j = jnp.arange(T)[None, :]

    def body(b, loss):
        L = unit_lengths[b]
        # torch.index_select(self.C, 0, units[b][:L]).reshape(1024, L)
        flat = jnp.take(C, units[b], axis=0).reshape(-1)
        true_centroids = flat[i * L + j]
        mask = j < L
        # centroids[b][:L].transpose(0, 1) -> [1024, L]
        diff = jnp.where(
            mask,
            jnp.abs(jnp.transpose(centroids[b], (1, 0)) - true_centroids),
            jnp.float32(0.0),
        )
        return loss + diff.sum(axis=0).sum() / L

    loss = jax.lax.fori_loop(0, Bn, body, jnp.float32(0.0))
    loss = loss / Bn
    return loss

if False:  # reference __main__ guard neutralized (emitter)
    out = reference(**setup_inputs())
    print(out.shape if hasattr(out, 'shape') else out, out)

if __name__ == "__main__":
    import jax
    _d = setup_inputs()
    print(jax.jit(kernel)(*tuple(_d.values())))

</pallas_src>

<mosaic_0001>
#map = affine_map<(d0, d1) -> (0, 0, 0)>
#map1 = affine_map<(d0, d1) -> (0)>
#map2 = affine_map<(d0, d1) -> (0, 0)>
module attributes {stable_mosaic.version = 14 : i64} {
  func.func @_sc_loss(%arg0: i32, %arg1: i32, %arg2: memref<16x2048x1024xf32, #tpu.memory_space<hbm>>, %arg3: memref<32768xi32, #tpu.memory_space<hbm>>, %arg4: memref<16xi32, #tpu.memory_space<hbm>>, %arg5: memref<256x1024xf32, #tpu.memory_space<hbm>>, %arg6: memref<32x16xf32, #tpu.memory_space<hbm>>, %arg7: memref<2048x16xf32, #tpu.memory_space<vmem>>, %arg8: memref<2048x16xf32, #tpu.memory_space<vmem>>, %arg9: memref<42x1024xf32, #tpu.memory_space<vmem>>, %arg10: memref<2064xi32, #tpu.memory_space<vmem>>, %arg11: memref<16xi32, #tpu.memory_space<vmem>>, %arg12: memref<16xf32, #tpu.memory_space<vmem>>, %arg13: memref<!tpu.dma_semaphore, #tpu.memory_space<semaphore_mem>>, %arg14: memref<!tpu.dma_semaphore, #tpu.memory_space<semaphore_mem>>, %arg15: memref<!tpu.dma_semaphore, #tpu.memory_space<semaphore_mem>>) attributes {dimension_semantics = [#tpu.dimension_semantics<core_parallel>, #tpu.dimension_semantics<subcore_parallel>], iteration_bounds = array<i64: 2, 16>, scalar_prefetch = 0 : i64, scratch_operands = 9 : i64, tpu.core_type = #tpu.core_type<sc_vector_subcore>, window_params = [{transform_indices = #map}, {transform_indices = #map1}, {transform_indices = #map1}, {transform_indices = #map2}, {transform_indices = #map2}]} {
    %mul3A = arith.constant 2 : i32
    %mul3A_0 = arith.muli %arg1, %mul3A : i32
    %add3A = arith.addi %mul3A_0, %arg0 : i32
    "tpu.region"() ({
      %run_scoped3A = tpu.sem_alloc : memref<!tpu.dma_semaphore, #tpu.memory_space<semaphore_mem>>
      tpu.enqueue_dma source(%arg4 : memref<16xi32, #tpu.memory_space<hbm>>) target(%arg11 : memref<16xi32, #tpu.memory_space<vmem>>) target_semaphore(%run_scoped3A : memref<!tpu.dma_semaphore, #tpu.memory_space<semaphore_mem>>)
      tpu.wait_dma2 semaphore(%run_scoped3A : memref<!tpu.dma_semaphore, #tpu.memory_space<semaphore_mem>>) src(%arg4 : memref<16xi32, #tpu.memory_space<hbm>>) dst(%arg11 : memref<16xi32, #tpu.memory_space<vmem>>)
      tpu.yield
    }) : () -> ()
    %iota3A = tpu.iota {dimensions = array<i32: 0>} : vector<16xi32>
    %broadcast_in_dim3A = arith.constant 0.000000e+00 : f32
    %broadcast_in_dim3A_1 = vector.broadcast %broadcast_in_dim3A : f32 to vector<16xf32>
    %add3A_2 = arith.constant 0 : i32
    %add3A_3 = arith.addi %add3A_2, %add3A : i32
    %shift_right_arithmetic3A = arith.constant 6 : i32
    %shift_right_arithmetic3A_4 = arith.shrsi %add3A_3, %shift_right_arithmetic3A : i32
    %and3A = arith.constant 63 : i32
    %and3A_5 = arith.andi %add3A_3, %and3A : i32
    %mul3A_6 = arith.constant 2048 : i32
    %mul3A_7 = arith.muli %shift_right_arithmetic3A_4, %mul3A_6 : i32
    %multiple_of3A = tpu.assume_multiple %mul3A_7, 16 : i32
    "tpu.region"() ({
      %run_scoped3A = tpu.sem_alloc : memref<!tpu.dma_semaphore, #tpu.memory_space<semaphore_mem>>
      %dma_start3A_42 = arith.constant 0 : i32
      %dma_start3A_43 = tpu.memref_slice %arg10[%dma_start3A_42] : memref<2064xi32, #tpu.memory_space<vmem>> -> memref<2048xi32, #tpu.memory_space<vmem>>
      %dma_start3A_44 = tpu.memref_slice %arg3[%multiple_of3A] : memref<32768xi32, #tpu.memory_space<hbm>> -> memref<2048xi32, #tpu.memory_space<hbm>>
      %dma_start3A_45 = arith.constant 0 : i32
      %dma_start3A_46 = tpu.memref_slice %arg10[%dma_start3A_45] : memref<2064xi32, #tpu.memory_space<vmem>> -> memref<2048xi32, #tpu.memory_space<vmem>>
      %dma_start3A_47 = tpu.memref_slice %arg3[%multiple_of3A] : memref<32768xi32, #tpu.memory_space<hbm>> -> memref<2048xi32, #tpu.memory_space<hbm>>
      tpu.enqueue_dma source(%dma_start3A_47 : memref<2048xi32, #tpu.memory_space<hbm>>) target(%dma_start3A_46 : memref<2048xi32, #tpu.memory_space<vmem>>) target_semaphore(%run_scoped3A : memref<!tpu.dma_semaphore, #tpu.memory_space<semaphore_mem>>)
      %dma_wait3A_48 = arith.constant 0 : i32
      %dma_wait3A_49 = tpu.memref_slice %arg10[%dma_wait3A_48] : memref<2064xi32, #tpu.memory_space<vmem>> -> memref<2048xi32, #tpu.memory_space<vmem>>
      %dma_wait3A_50 = tpu.memref_slice %arg3[%multiple_of3A] : memref<32768xi32, #tpu.memory_space<hbm>> -> memref<2048xi32, #tpu.memory_space<hbm>>
      %dma_wait3A_51 = arith.constant 0 : i32
      %dma_wait3A_52 = tpu.memref_slice %arg10[%dma_wait3A_51] : memref<2064xi32, #tpu.memory_space<vmem>> -> memref<2048xi32, #tpu.memory_space<vmem>>
      %dma_wait3A_53 = tpu.memref_slice %arg3[%multiple_of3A] : memref<32768xi32, #tpu.memory_space<hbm>> -> memref<2048xi32, #tpu.memory_space<hbm>>
      tpu.wait_dma2 semaphore(%run_scoped3A : memref<!tpu.dma_semaphore, #tpu.memory_space<semaphore_mem>>) src(%dma_wait3A_53 : memref<2048xi32, #tpu.memory_space<hbm>>) dst(%dma_wait3A_52 : memref<2048xi32, #tpu.memory_space<vmem>>)
      tpu.yield
    }) : () -> ()
    %broadcast_in_dim3A_8 = arith.constant 0 : i32
    %broadcast_in_dim3A_9 = vector.broadcast %broadcast_in_dim3A_8 : i32 to vector<16xi32>
    %swap3A = arith.constant 2048 : index
    %swap3A_10 = tpu.vector_load %arg10[%swap3A] {strides = array<i32>} : memref<2064xi32, #tpu.memory_space<vmem>>, vector<16xi32>,
    tpu.vector_store %arg10[%swap3A], %broadcast_in_dim3A_9 {strides = array<i32>} : memref<2064xi32, #tpu.memory_space<vmem>>, vector<16xi32>,
    %min3A = arith.constant 0 : i32
    %min3A_11 = arith.constant 31 : i32
    %min3A_12 = arith.minsi %min3A, %min3A_11 : i32
    %mul3A_13 = arith.constant 32 : i32
    %mul3A_14 = arith.muli %min3A_12, %mul3A_13 : i32
    %add3A_15 = arith.addi %mul3A_14, %add3A : i32
    %shift_right_arithmetic3A_16 = arith.constant 6 : i32
    %shift_right_arithmetic3A_17 = arith.shrsi %add3A_15, %shift_right_arithmetic3A_16 : i32
    %and3A_18 = arith.constant 63 : i32
    %and3A_19 = arith.andi %add3A_15, %and3A_18 : i32
    %mul3A_20 = arith.constant 16 : i32
    %mul3A_21 = arith.muli %and3A_19, %mul3A_20 : i32
    %dma_start3A = arith.constant 0 : i32
    %dma_start3A_22 = tpu.memref_slice %arg2[%shift_right_arithmetic3A_17, %dma_start3A, %mul3A_21] : memref<16x2048x1024xf32, #tpu.memory_space<hbm>> -> memref<1x2048x16xf32, #tpu.memory_space<hbm>>
    %dma_start3A_23 = tpu.memref_squeeze %dma_start3A_22 : memref<1x2048x16xf32, #tpu.memory_space<hbm>> -> memref<2048x16xf32, #tpu.memory_space<hbm>>
    %dma_start3A_24 = arith.constant 0 : i32
    %dma_start3A_25 = tpu.memref_slice %arg2[%shift_right_arithmetic3A_17, %dma_start3A_24, %mul3A_21] : memref<16x2048x1024xf32, #tpu.memory_space<hbm>> -> memref<1x2048x16xf32, #tpu.memory_space<hbm>>
    %dma_start3A_26 = tpu.memref_squeeze %dma_start3A_25 : memref<1x2048x16xf32, #tpu.memory_space<hbm>> -> memref<2048x16xf32, #tpu.memory_space<hbm>>
    tpu.enqueue_dma source(%dma_start3A_26 : memref<2048x16xf32, #tpu.memory_space<hbm>>) target(%arg7 : memref<2048x16xf32, #tpu.memory_space<vmem>>) target_semaphore(%arg13 : memref<!tpu.dma_semaphore, #tpu.memory_space<semaphore_mem>>)
    %scan3A = arith.constant 0 : i32
    %scan3A_27 = arith.constant 16 : i32
    %scan3A_28 = arith.addi %scan3A, %scan3A_27 : i32
    %scan3A_29 = arith.constant 1 : i32
    %scan3A_30 = scf.for %scan3A_42 = %scan3A to %scan3A_28 step %scan3A_29 iter_args(%scan3A_43 = %broadcast_in_dim3A_1) -> (vector<16xf32>)  : i32 {
      %mul3A_44 = arith.constant 2 : i32
      %mul3A_45 = arith.muli %scan3A_42, %mul3A_44 : i32
      %mul3A_46 = arith.constant 32 : i32
      %mul3A_47 = arith.muli %mul3A_45, %mul3A_46 : i32
      %add3A_48 = arith.addi %mul3A_47, %add3A : i32
      %shift_right_arithmetic3A_49 = arith.constant 6 : i32
      %shift_right_arithmetic3A_50 = arith.shrsi %add3A_48, %shift_right_arithmetic3A_49 : i32
      %and3A_51 = arith.constant 63 : i32
      %and3A_52 = arith.andi %add3A_48, %and3A_51 : i32
      %sub3A = arith.constant 1 : i32
      %sub3A_53 = arith.subi %mul3A_45, %sub3A : i32
      %max3A = arith.constant 0 : i32
      %max3A_54 = arith.maxsi %sub3A_53, %max3A : i32
      %mul3A_55 = arith.constant 32 : i32
      %mul3A_56 = arith.muli %max3A_54, %mul3A_55 : i32
      %add3A_57 = arith.addi %mul3A_56, %add3A : i32
      %shift_right_arithmetic3A_58 = arith.constant 6 : i32
      %shift_right_arithmetic3A_59 = arith.shrsi %add3A_57, %shift_right_arithmetic3A_58 : i32
      %and3A_60 = arith.constant 63 : i32
      %and3A_61 = arith.andi %add3A_57, %and3A_60 : i32
      %gt3A = arith.constant 0 : i32
      %gt3A_62 = arith.cmpi sgt, %mul3A_45, %gt3A : i32
      %ne3A = arith.cmpi ne, %shift_right_arithmetic3A_50, %shift_right_arithmetic3A_59 : i32
      %and3A_63 = arith.andi %gt3A_62, %ne3A : i1
      %convert_element_type3A = arith.extui %and3A_63 : i1 to i32
      %cond3A = arith.constant 0 : i32
      %cond3A_64 = arith.cmpi ne, %convert_element_type3A, %cond3A : i32
      scf.if %cond3A_64 {
        %mul3A_258 = arith.constant 2048 : i32
        %mul3A_259 = arith.muli %shift_right_arithmetic3A_50, %mul3A_258 : i32
        %multiple_of3A_260 = tpu.assume_multiple %mul3A_259, 16 : i32
        "tpu.region"() ({
          %run_scoped3A = tpu.sem_alloc : memref<!tpu.dma_semaphore, #tpu.memory_space<semaphore_mem>>
          %dma_start3A_265 = arith.constant 0 : i32
          %dma_start3A_266 = tpu.memref_slice %arg10[%dma_start3A_265] : memref<2064xi32, #tpu.memory_space<vmem>> -> memref<2048xi32, #tpu.memory_space<vmem>>
          %dma_start3A_267 = tpu.memref_slice %arg3[%multiple_of3A_260] : memref<32768xi32, #tpu.memory_space<hbm>> -> memref<2048xi32, #tpu.memory_space<hbm>>
          %dma_start3A_268 = arith.constant 0 : i32
          %dma_start3A_269 = tpu.memref_slice %arg10[%dma_start3A_268] : memref<2064xi32, #tpu.memory_space<vmem>> -> memref<2048xi32, #tpu.memory_space<vmem>>
          %dma_start3A_270 = tpu.memref_slice %arg3[%multiple_of3A_260] : memref<32768xi32, #tpu.memory_space<hbm>> -> memref<2048xi32, #tpu.memory_space<hbm>>
          tpu.enqueue_dma source(%dma_start3A_270 : memref<2048xi32, #tpu.memory_space<hbm>>) target(%dma_start3A_269 : memref<2048xi32, #tpu.memory_space<vmem>>) target_semaphore(%run_scoped3A : memref<!tpu.dma_semaphore, #tpu.memory_space<semaphore_mem>>)
          %dma_wait3A_271 = arith.constant 0 : i32
          %dma_wait3A_272 = tpu.memref_slice %arg10[%dma_wait3A_271] : memref<2064xi32, #tpu.memory_space<vmem>> -> memref<2048xi32, #tpu.memory_space<vmem>>
          %dma_wait3A_273 = tpu.memref_slice %arg3[%multiple_of3A_260] : memref<32768xi32, #tpu.memory_space<hbm>> -> memref<2048xi32, #tpu.memory_space<hbm>>
          %dma_wait3A_274 = arith.constant 0 : i32
          %dma_wait3A_275 = tpu.memref_slice %arg10[%dma_wait3A_274] : memref<2064xi32, #tpu.memory_space<vmem>> -> memref<2048xi32, #tpu.memory_space<vmem>>
          %dma_wait3A_276 = tpu.memref_slice %arg3[%multiple_of3A_260] : memref<32768xi32, #tpu.memory_space<hbm>> -> memref<2048xi32, #tpu.memory_space<hbm>>
          tpu.wait_dma2 semaphore(%run_scoped3A : memref<!tpu.dma_semaphore, #tpu.memory_space<semaphore_mem>>) src(%dma_wait3A_276 : memref<2048xi32, #tpu.memory_space<hbm>>) dst(%dma_wait3A_275 : memref<2048xi32, #tpu.memory_space<vmem>>)
          tpu.yield
        }) : () -> ()
        %broadcast_in_dim3A_261 = arith.constant 0 : i32
        %broadcast_in_dim3A_262 = vector.broadcast %broadcast_in_dim3A_261 : i32 to vector<16xi32>
        %swap3A_263 = arith.constant 2048 : index
        %swap3A_264 = tpu.vector_load %arg10[%swap3A_263] {strides = array<i32>} : memref<2064xi32, #tpu.memory_space<vmem>>, vector<16xi32>,
        tpu.vector_store %arg10[%swap3A_263], %broadcast_in_dim3A_262 {strides = array<i32>} : memref<2064xi32, #tpu.memory_space<vmem>>, vector<16xi32>,
      } else {
      }
      %broadcast_in_dim3A_65 = vector.broadcast %shift_right_arithmetic3A_50 : i32 to vector<16xi32>
      %gather3A = tpu.vector_load_idx %arg11[%broadcast_in_dim3A_65] : memref<16xi32, #tpu.memory_space<vmem>>[vector<16xi32>], vector<16xi32>,
      %reduce_max3A = arith.constant true
      %reduce_max3A_66 = vector.broadcast %reduce_max3A : i1 to vector<16xi1>
      %reduce_max3A_67 = arith.constant -2147483648 : i32
      %reduce_max3A_68 = vector.broadcast %reduce_max3A_67 : i32 to vector<16xi32>
      %reduce_max3A_69 = arith.xori %gather3A, %reduce_max3A_68 : vector<16xi32>
      %reduce_max3A_70 = tpu.scan <max>, %reduce_max3A_69 masked %reduce_max3A_66 : vector<16xi32>, vector<16xi1> -> vector<16xi32>
      %reduce_max3A_71 = arith.xori %reduce_max3A_70, %reduce_max3A_68 : vector<16xi32>
      %reduce_max3A_72 = vector.extract %reduce_max3A_71[15] : i32 from vector<16xi32>
      %mul3A_73 = arith.constant 16 : i32
      %mul3A_74 = arith.muli %and3A_52, %mul3A_73 : i32
      %mul3A_75 = arith.muli %mul3A_74, %reduce_max3A_72 : i32
      %shift_right_arithmetic3A_76 = arith.constant 10 : i32
      %shift_right_arithmetic3A_77 = arith.shrsi %mul3A_75, %shift_right_arithmetic3A_76 : i32
      %and3A_78 = arith.constant -8 : i32
      %and3A_79 = arith.andi %shift_right_arithmetic3A_77, %and3A_78 : i32
      %multiple_of3A_80 = tpu.assume_multiple %and3A_79, 8 : i32
      %dma_start3A_81 = tpu.memref_slice %arg10[%multiple_of3A_80] : memref<2064xi32, #tpu.memory_space<vmem>> -> memref<42xi32, #tpu.memory_space<vmem>>
      %dma_start3A_82 = arith.constant 0 : i32
      %dma_start3A_83 = arith.constant 0 : i32
      %dma_start3A_84 = tpu.memref_slice %arg5[%dma_start3A_82, %dma_start3A_83] : memref<256x1024xf32, #tpu.memory_space<hbm>> -> memref<256x1024xf32, #tpu.memory_space<hbm>>
      tpu.enqueue_indirect_dma source(%dma_start3A_84 : memref<256x1024xf32, #tpu.memory_space<hbm>>) target(%arg9 : memref<42x1024xf32, #tpu.memory_space<vmem>>) offsets(%dma_start3A_81 : memref<42xi32, #tpu.memory_space<vmem>>) semaphore(%arg15 : memref<!tpu.dma_semaphore, #tpu.memory_space<semaphore_mem>>)
      %dma_wait3A_85 = arith.constant 0 : i32
      %dma_wait3A_86 = arith.constant 0 : i32
      %dma_wait3A_87 = arith.constant 0 : i32
      %dma_wait3A_88 = tpu.memref_slice %arg2[%dma_wait3A_85, %dma_wait3A_86, %dma_wait3A_87] : memref<16x2048x1024xf32, #tpu.memory_space<hbm>> -> memref<1x2048x16xf32, #tpu.memory_space<hbm>>
      %dma_wait3A_89 = tpu.memref_squeeze %dma_wait3A_88 : memref<1x2048x16xf32, #tpu.memory_space<hbm>> -> memref<2048x16xf32, #tpu.memory_space<hbm>>
      %dma_wait3A_90 = arith.constant 0 : i32
      %dma_wait3A_91 = arith.constant 0 : i32
      %dma_wait3A_92 = tpu.memref_slice %arg2[%dma_wait3A_85, %dma_wait3A_90, %dma_wait3A_91] : memref<16x2048x1024xf32, #tpu.memory_space<hbm>> -> memref<1x2048x16xf32, #tpu.memory_space<hbm>>
      %dma_wait3A_93 = tpu.memref_squeeze %dma_wait3A_92 : memref<1x2048x16xf32, #tpu.memory_space<hbm>> -> memref<2048x16xf32, #tpu.memory_space<hbm>>
      tpu.wait_dma2 semaphore(%arg13 : memref<!tpu.dma_semaphore, #tpu.memory_space<semaphore_mem>>) src(%dma_wait3A_93 : memref<2048x16xf32, #tpu.memory_space<hbm>>) dst(%arg7 : memref<2048x16xf32, #tpu.memory_space<vmem>>)
      %add3A_94 = arith.constant 1 : i32
      %add3A_95 = arith.addi %mul3A_45, %add3A_94 : i32
      %min3A_96 = arith.constant 31 : i32
      %min3A_97 = arith.minsi %add3A_95, %min3A_96 : i32
      %mul3A_98 = arith.constant 32 : i32
      %mul3A_99 = arith.muli %min3A_97, %mul3A_98 : i32
      %add3A_100 = arith.addi %mul3A_99, %add3A : i32
      %shift_right_arithmetic3A_101 = arith.constant 6 : i32
      %shift_right_arithmetic3A_102 = arith.shrsi %add3A_100, %shift_right_arithmetic3A_101 : i32
      %and3A_103 = arith.constant 63 : i32
      %and3A_104 = arith.andi %add3A_100, %and3A_103 : i32
      %mul3A_105 = arith.constant 16 : i32
      %mul3A_106 = arith.muli %and3A_104, %mul3A_105 : i32
      %dma_start3A_107 = arith.constant 0 : i32
      %dma_start3A_108 = tpu.memref_slice %arg2[%shift_right_arithmetic3A_102, %dma_start3A_107, %mul3A_106] : memref<16x2048x1024xf32, #tpu.memory_space<hbm>> -> memref<1x2048x16xf32, #tpu.memory_space<hbm>>
      %dma_start3A_109 = tpu.memref_squeeze %dma_start3A_108 : memref<1x2048x16xf32, #tpu.memory_space<hbm>> -> memref<2048x16xf32, #tpu.memory_space<hbm>>
      %dma_start3A_110 = arith.constant 0 : i32
      %dma_start3A_111 = tpu.memref_slice %arg2[%shift_right_arithmetic3A_102, %dma_start3A_110, %mul3A_106] : memref<16x2048x1024xf32, #tpu.memory_space<hbm>> -> memref<1x2048x16xf32, #tpu.memory_space<hbm>>
      %dma_start3A_112 = tpu.memref_squeeze %dma_start3A_111 : memref<1x2048x16xf32, #tpu.memory_space<hbm>> -> memref<2048x16xf32, #tpu.memory_space<hbm>>
      tpu.enqueue_dma source(%dma_start3A_112 : memref<2048x16xf32, #tpu.memory_space<hbm>>) target(%arg8 : memref<2048x16xf32, #tpu.memory_space<vmem>>) target_semaphore(%arg14 : memref<!tpu.dma_semaphore, #tpu.memory_space<semaphore_mem>>)
      %dma_wait3A_113 = tpu.memref_slice %arg10[%multiple_of3A_80] : memref<2064xi32, #tpu.memory_space<vmem>> -> memref<42xi32, #tpu.memory_space<vmem>>
      %dma_wait3A_114 = arith.constant 0 : i32
      %dma_wait3A_115 = arith.constant 0 : i32
      %dma_wait3A_116 = tpu.memref_slice %arg5[%dma_wait3A_114, %dma_wait3A_115] : memref<256x1024xf32, #tpu.memory_space<hbm>> -> memref<256x1024xf32, #tpu.memory_space<hbm>>
      tpu.wait_indirect_dma semaphore(%arg15 : memref<!tpu.dma_semaphore, #tpu.memory_space<semaphore_mem>>) src(%dma_wait3A_116 : memref<256x1024xf32, #tpu.memory_space<hbm>>) dst(%arg9 : memref<42x1024xf32, #tpu.memory_space<vmem>>)
      %add3A_117 = vector.broadcast %mul3A_74 : i32 to vector<16xi32>
      %add3A_118 = arith.addi %add3A_117, %iota3A : vector<16xi32>
      %mul3A_119 = vector.broadcast %reduce_max3A_72 : i32 to vector<16xi32>
      %mul3A_120 = arith.muli %add3A_118, %mul3A_119 : vector<16xi32>
      %shift_left3A = arith.constant 10 : i32
      %shift_left3A_121 = arith.shli %multiple_of3A_80, %shift_left3A : i32
      %sub3A_122 = vector.broadcast %shift_left3A_121 : i32 to vector<16xi32>
      %sub3A_123 = arith.subi %mul3A_120, %sub3A_122 : vector<16xi32>
      %and3A_124 = arith.constant -8 : i32
      %and3A_125 = arith.andi %reduce_max3A_72, %and3A_124 : i32
      %parallel_loop3A = arith.constant 0 : i32
      %parallel_loop3A_126 = arith.constant 8 : i32
      %parallel_loop3A_127 = scf.for %parallel_loop3A_258 = %parallel_loop3A to %and3A_125 step %parallel_loop3A_126 iter_args(%parallel_loop3A_259 = %broadcast_in_dim3A_1) -> (vector<16xf32>)  : i32 {
        %parallel_loop3A_260 = vector.broadcast %parallel_loop3A_258 : i32 to vector<16xi32>
        %parallel_loop3A_261 = arith.addi %sub3A_123, %parallel_loop3A_260 : vector<16xi32>
        %parallel_loop3A_262 = arith.constant 10 : i32
        %parallel_loop3A_263 = vector.broadcast %parallel_loop3A_262 : i32 to vector<16xi32>
        %parallel_loop3A_264 = arith.shrsi %parallel_loop3A_261, %parallel_loop3A_263 : vector<16xi32>
        %parallel_loop3A_265 = arith.constant 1023 : i32
        %parallel_loop3A_266 = vector.broadcast %parallel_loop3A_265 : i32 to vector<16xi32>
        %parallel_loop3A_267 = arith.andi %parallel_loop3A_261, %parallel_loop3A_266 : vector<16xi32>
        %parallel_loop3A_268 = tpu.vector_load_idx %arg9[%parallel_loop3A_264, %parallel_loop3A_267] : memref<42x1024xf32, #tpu.memory_space<vmem>>[vector<16xi32>, vector<16xi32>], vector<16xf32>,
        %parallel_loop3A_269 = arith.index_cast %parallel_loop3A_258 : i32 to index
        %parallel_loop3A_270 = arith.constant 0 : index
        %parallel_loop3A_271 = tpu.vector_load %arg7[%parallel_loop3A_269, %parallel_loop3A_270] {strides = array<i32>} : memref<2048x16xf32, #tpu.memory_space<vmem>>, vector<16xf32>,
        %parallel_loop3A_272 = arith.subf %parallel_loop3A_271, %parallel_loop3A_268 : vector<16xf32>
        %parallel_loop3A_273 = math.absf %parallel_loop3A_272 : vector<16xf32>
        %parallel_loop3A_274 = arith.constant 1 : i32
        %parallel_loop3A_275 = arith.addi %parallel_loop3A_258, %parallel_loop3A_274 : i32
        %parallel_loop3A_276 = vector.broadcast %parallel_loop3A_275 : i32 to vector<16xi32>
        %parallel_loop3A_277 = arith.addi %sub3A_123, %parallel_loop3A_276 : vector<16xi32>
        %parallel_loop3A_278 = arith.constant 10 : i32
        %parallel_loop3A_279 = vector.broadcast %parallel_loop3A_278 : i32 to vector<16xi32>
        %parallel_loop3A_280 = arith.shrsi %parallel_loop3A_277, %parallel_loop3A_279 : vector<16xi32>
        %parallel_loop3A_281 = arith.constant 1023 : i32
        %parallel_loop3A_282 = vector.broadcast %parallel_loop3A_281 : i32 to vector<16xi32>
        %parallel_loop3A_283 = arith.andi %parallel_loop3A_277, %parallel_loop3A_282 : vector<16xi32>
        %parallel_loop3A_284 = tpu.vector_load_idx %arg9[%parallel_loop3A_280, %parallel_loop3A_283] : memref<42x1024xf32, #tpu.memory_space<vmem>>[vector<16xi32>, vector<16xi32>], vector<16xf32>,
        %parallel_loop3A_285 = arith.index_cast %parallel_loop3A_275 : i32 to index
        %parallel_loop3A_286 = arith.constant 0 : index
        %parallel_loop3A_287 = tpu.vector_load %arg7[%parallel_loop3A_285, %parallel_loop3A_286] {strides = array<i32>} : memref<2048x16xf32, #tpu.memory_space<vmem>>, vector<16xf32>,
        %parallel_loop3A_288 = arith.subf %parallel_loop3A_287, %parallel_loop3A_284 : vector<16xf32>
        %parallel_loop3A_289 = math.absf %parallel_loop3A_288 : vector<16xf32>
        %parallel_loop3A_290 = arith.addf %parallel_loop3A_273, %parallel_loop3A_289 : vector<16xf32>
        %parallel_loop3A_291 = arith.constant 2 : i32
        %parallel_loop3A_292 = arith.addi %parallel_loop3A_258, %parallel_loop3A_291 : i32
        %parallel_loop3A_293 = vector.broadcast %parallel_loop3A_292 : i32 to vector<16xi32>
        %parallel_loop3A_294 = arith.addi %sub3A_123, %parallel_loop3A_293 : vector<16xi32>
        %parallel_loop3A_295 = arith.constant 10 : i32
        %parallel_loop3A_296 = vector.broadcast %parallel_loop3A_295 : i32 to vector<16xi32>
        %parallel_loop3A_297 = arith.shrsi %parallel_loop3A_294, %parallel_loop3A_296 : vector<16xi32>
        %parallel_loop3A_298 = arith.constant 1023 : i32
        %parallel_loop3A_299 = vector.broadcast %parallel_loop3A_298 : i32 to vector<16xi32>
        %parallel_loop3A_300 = arith.andi %parallel_loop3A_294, %parallel_loop3A_299 : vector<16xi32>
        %parallel_loop3A_301 = tpu.vector_load_idx %arg9[%parallel_loop3A_297, %parallel_loop3A_300] : memref<42x1024xf32, #tpu.memory_space<vmem>>[vector<16xi32>, vector<16xi32>], vector<16xf32>,
        %parallel_loop3A_302 = arith.index_cast %parallel_loop3A_292 : i32 to index
        %parallel_loop3A_303 = arith.constant 0 : index
        %parallel_loop3A_304 = tpu.vector_load %arg7[%parallel_loop3A_302, %parallel_loop3A_303] {strides = array<i32>} : memref<2048x16xf32, #tpu.memory_space<vmem>>, vector<16xf32>,
        %parallel_loop3A_305 = arith.subf %parallel_loop3A_304, %parallel_loop3A_301 : vector<16xf32>
        %parallel_loop3A_306 = math.absf %parallel_loop3A_305 : vector<16xf32>
        %parallel_loop3A_307 = arith.constant 3 : i32
        %parallel_loop3A_308 = arith.addi %parallel_loop3A_258, %parallel_loop3A_307 : i32
        %parallel_loop3A_309 = vector.broadcast %parallel_loop3A_308 : i32 to vector<16xi32>
        %parallel_loop3A_310 = arith.addi %sub3A_123, %parallel_loop3A_309 : vector<16xi32>
        %parallel_loop3A_311 = arith.constant 10 : i32
        %parallel_loop3A_312 = vector.broadcast %parallel_loop3A_311 : i32 to vector<16xi32>
        %parallel_loop3A_313 = arith.shrsi %parallel_loop3A_310, %parallel_loop3A_312 : vector<16xi32>
        %parallel_loop3A_314 = arith.constant 1023 : i32
        %parallel_loop3A_315 = vector.broadcast %parallel_loop3A_314 : i32 to vector<16xi32>
        %parallel_loop3A_316 = arith.andi %parallel_loop3A_310, %parallel_loop3A_315 : vector<16xi32>
        %parallel_loop3A_317 = tpu.vector_load_idx %arg9[%parallel_loop3A_313, %parallel_loop3A_316] : memref<42x1024xf32, #tpu.memory_space<vmem>>[vector<16xi32>, vector<16xi32>], vector<16xf32>,
        %parallel_loop3A_318 = arith.index_cast %parallel_loop3A_308 : i32 to index
        %parallel_loop3A_319 = arith.constant 0 : index
        %parallel_loop3A_320 = tpu.vector_load %arg7[%parallel_loop3A_318, %parallel_loop3A_319] {strides = array<i32>} : memref<2048x16xf32, #tpu.memory_space<vmem>>, vector<16xf32>,
        %parallel_loop3A_321 = arith.subf %parallel_loop3A_320, %parallel_loop3A_317 : vector<16xf32>
        %parallel_loop3A_322 = math.absf %parallel_loop3A_321 : vector<16xf32>
        %parallel_loop3A_323 = arith.addf %parallel_loop3A_306, %parallel_loop3A_322 : vector<16xf32>
        %parallel_loop3A_324 = arith.addf %parallel_loop3A_290, %parallel_loop3A_323 : vector<16xf32>
        %parallel_loop3A_325 = arith.constant 4 : i32
        %parallel_loop3A_326 = arith.addi %parallel_loop3A_258, %parallel_loop3A_325 : i32
        %parallel_loop3A_327 = vector.broadcast %parallel_loop3A_326 : i32 to vector<16xi32>
        %parallel_loop3A_328 = arith.addi %sub3A_123, %parallel_loop3A_327 : vector<16xi32>
        %parallel_loop3A_329 = arith.constant 10 : i32
        %parallel_loop3A_330 = vector.broadcast %parallel_loop3A_329 : i32 to vector<16xi32>
        %parallel_loop3A_331 = arith.shrsi %parallel_loop3A_328, %parallel_loop3A_330 : vector<16xi32>
        %parallel_loop3A_332 = arith.constant 1023 : i32
        %parallel_loop3A_333 = vector.broadcast %parallel_loop3A_332 : i32 to vector<16xi32>
        %parallel_loop3A_334 = arith.andi %parallel_loop3A_328, %parallel_loop3A_333 : vector<16xi32>
        %parallel_loop3A_335 = tpu.vector_load_idx %arg9[%parallel_loop3A_331, %parallel_loop3A_334] : memref<42x1024xf32, #tpu.memory_space<vmem>>[vector<16xi32>, vector<16xi32>], vector<16xf32>,
        %parallel_loop3A_336 = arith.index_cast %parallel_loop3A_326 : i32 to index
        %parallel_loop3A_337 = arith.constant 0 : index
        %parallel_loop3A_338 = tpu.vector_load %arg7[%parallel_loop3A_336, %parallel_loop3A_337] {strides = array<i32>} : memref<2048x16xf32, #tpu.memory_space<vmem>>, vector<16xf32>,
        %parallel_loop3A_339 = arith.subf %parallel_loop3A_338, %parallel_loop3A_335 : vector<16xf32>
        %parallel_loop3A_340 = math.absf %parallel_loop3A_339 : vector<16xf32>
        %parallel_loop3A_341 = arith.constant 5 : i32
        %parallel_loop3A_342 = arith.addi %parallel_loop3A_258, %parallel_loop3A_341 : i32
        %parallel_loop3A_343 = vector.broadcast %parallel_loop3A_342 : i32 to vector<16xi32>
        %parallel_loop3A_344 = arith.addi %sub3A_123, %parallel_loop3A_343 : vector<16xi32>
        %parallel_loop3A_345 = arith.constant 10 : i32
        %parallel_loop3A_346 = vector.broadcast %parallel_loop3A_345 : i32 to vector<16xi32>
        %parallel_loop3A_347 = arith.shrsi %parallel_loop3A_344, %parallel_loop3A_346 : vector<16xi32>
        %parallel_loop3A_348 = arith.constant 1023 : i32
        %parallel_loop3A_349 = vector.broadcast %parallel_loop3A_348 : i32 to vector<16xi32>
        %parallel_loop3A_350 = arith.andi %parallel_loop3A_344, %parallel_loop3A_349 : vector<16xi32>
        %parallel_loop3A_351 = tpu.vector_load_idx %arg9[%parallel_loop3A_347, %parallel_loop3A_350] : memref<42x1024xf32, #tpu.memory_space<vmem>>[vector<16xi32>, vector<16xi32>], vector<16xf32>,
        %parallel_loop3A_352 = arith.index_cast %parallel_loop3A_342 : i32 to index
        %parallel_loop3A_353 = arith.constant 0 : index
        %parallel_loop3A_354 = tpu.vector_load %arg7[%parallel_loop3A_352, %parallel_loop3A_353] {strides = array<i32>} : memref<2048x16xf32, #tpu.memory_space<vmem>>, vector<16xf32>,
        %parallel_loop3A_355 = arith.subf %parallel_loop3A_354, %parallel_loop3A_351 : vector<16xf32>
        %parallel_loop3A_356 = math.absf %parallel_loop3A_355 : vector<16xf32>
        %parallel_loop3A_357 = arith.addf %parallel_loop3A_340, %parallel_loop3A_356 : vector<16xf32>
        %parallel_loop3A_358 = arith.constant 6 : i32
        %parallel_loop3A_359 = arith.addi %parallel_loop3A_258, %parallel_loop3A_358 : i32
        %parallel_loop3A_360 = vector.broadcast %parallel_loop3A_359 : i32 to vector<16xi32>
        %parallel_loop3A_361 = arith.addi %sub3A_123, %parallel_loop3A_360 : vector<16xi32>
        %parallel_loop3A_362 = arith.constant 10 : i32
        %parallel_loop3A_363 = vector.broadcast %parallel_loop3A_362 : i32 to vector<16xi32>
        %parallel_loop3A_364 = arith.shrsi %parallel_loop3A_361, %parallel_loop3A_363 : vector<16xi32>
        %parallel_loop3A_365 = arith.constant 1023 : i32
        %parallel_loop3A_366 = vector.broadcast %parallel_loop3A_365 : i32 to vector<16xi32>
        %parallel_loop3A_367 = arith.andi %parallel_loop3A_361, %parallel_loop3A_366 : vector<16xi32>
        %parallel_loop3A_368 = tpu.vector_load_idx %arg9[%parallel_loop3A_364, %parallel_loop3A_367] : memref<42x1024xf32, #tpu.memory_space<vmem>>[vector<16xi32>, vector<16xi32>], vector<16xf32>,
        %parallel_loop3A_369 = arith.index_cast %parallel_loop3A_359 : i32 to index
        %parallel_loop3A_370 = arith.constant 0 : index
        %parallel_loop3A_371 = tpu.vector_load %arg7[%parallel_loop3A_369, %parallel_loop3A_370] {strides = array<i32>} : memref<2048x16xf32, #tpu.memory_space<vmem>>, vector<16xf32>,
        %parallel_loop3A_372 = arith.subf %parallel_loop3A_371, %parallel_loop3A_368 : vector<16xf32>
        %parallel_loop3A_373 = math.absf %parallel_loop3A_372 : vector<16xf32>
        %parallel_loop3A_374 = arith.constant 7 : i32
        %parallel_loop3A_375 = arith.addi %parallel_loop3A_258, %parallel_loop3A_374 : i32
        %parallel_loop3A_376 = vector.broadcast %parallel_loop3A_375 : i32 to vector<16xi32>
        %parallel_loop3A_377 = arith.addi %sub3A_123, %parallel_loop3A_376 : vector<16xi32>
        %parallel_loop3A_378 = arith.constant 10 : i32
        %parallel_loop3A_379 = vector.broadcast %parallel_loop3A_378 : i32 to vector<16xi32>
        %parallel_loop3A_380 = arith.shrsi %parallel_loop3A_377, %parallel_loop3A_379 : vector<16xi32>
        %parallel_loop3A_381 = arith.constant 1023 : i32
        %parallel_loop3A_382 = vector.broadcast %parallel_loop3A_381 : i32 to vector<16xi32>
        %parallel_loop3A_383 = arith.andi %parallel_loop3A_377, %parallel_loop3A_382 : vector<16xi32>
        %parallel_loop3A_384 = tpu.vector_load_idx %arg9[%parallel_loop3A_380, %parallel_loop3A_383] : memref<42x1024xf32, #tpu.memory_space<vmem>>[vector<16xi32>, vector<16xi32>], vector<16xf32>,
        %parallel_loop3A_385 = arith.index_cast %parallel_loop3A_375 : i32 to index
        %parallel_loop3A_386 = arith.constant 0 : index
        %parallel_loop3A_387 = tpu.vector_load %arg7[%parallel_loop3A_385, %parallel_loop3A_386] {strides = array<i32>} : memref<2048x16xf32, #tpu.memory_space<vmem>>, vector<16xf32>,
        %parallel_loop3A_388 = arith.subf %parallel_loop3A_387, %parallel_loop3A_384 : vector<16xf32>
        %parallel_loop3A_389 = math.absf %parallel_loop3A_388 : vector<16xf32>
        %parallel_loop3A_390 = arith.addf %parallel_loop3A_373, %parallel_loop3A_389 : vector<16xf32>
        %parallel_loop3A_391 = arith.addf %parallel_loop3A_357, %parallel_loop3A_390 : vector<16xf32>
        %parallel_loop3A_392 = arith.addf %parallel_loop3A_324, %parallel_loop3A_391 : vector<16xf32>
        %parallel_loop3A_393 = arith.addf %parallel_loop3A_259, %parallel_loop3A_392 : vector<16xf32>
        scf.yield %parallel_loop3A_393 : vector<16xf32>
      } {sc.loop_unroll_factor = 2 : i64, sc.parallel_access}
      %while3A = arith.subi %reduce_max3A_72, %and3A_125 : i32
      %while3A_128 = arith.addi %and3A_125, %while3A : i32
      %while3A_129 = arith.constant 1 : i32
      %while3A_130 = arith.divsi %while3A, %while3A_129 : i32
      %while3A_131 = arith.muli %while3A_130, %while3A_129 : i32
      %while3A_132 = arith.addi %and3A_125, %while3A_131 : i32
      %while3A_133 = arith.constant 1 : i32
      %while3A_134 = scf.for %while3A_258 = %and3A_125 to %while3A_132 step %while3A_133 iter_args(%while3A_259 = %parallel_loop3A_127) -> (vector<16xf32>)  : i32 {
        %add3A_260 = vector.broadcast %while3A_258 : i32 to vector<16xi32>
        %add3A_261 = arith.addi %sub3A_123, %add3A_260 : vector<16xi32>
        %shift_right_arithmetic3A_262 = arith.constant 10 : i32
        %shift_right_arithmetic3A_263 = vector.broadcast %shift_right_arithmetic3A_262 : i32 to vector<16xi32>
        %shift_right_arithmetic3A_264 = arith.shrsi %add3A_261, %shift_right_arithmetic3A_263 : vector<16xi32>
        %and3A_265 = arith.constant 1023 : i32
        %and3A_266 = vector.broadcast %and3A_265 : i32 to vector<16xi32>
        %and3A_267 = arith.andi %add3A_261, %and3A_266 : vector<16xi32>
        %gather3A_268 = tpu.vector_load_idx %arg9[%shift_right_arithmetic3A_264, %and3A_267] : memref<42x1024xf32, #tpu.memory_space<vmem>>[vector<16xi32>, vector<16xi32>], vector<16xf32>,
        %get3A = arith.index_cast %while3A_258 : i32 to index
        %get3A_269 = arith.constant 0 : index
        %get3A_270 = tpu.vector_load %arg7[%get3A, %get3A_269] {strides = array<i32>} : memref<2048x16xf32, #tpu.memory_space<vmem>>, vector<16xf32>,
        %sub3A_271 = arith.subf %get3A_270, %gather3A_268 : vector<16xf32>
        %abs3A = math.absf %sub3A_271 : vector<16xf32>
        %add3A_272 = arith.addf %while3A_259, %abs3A : vector<16xf32>
        scf.yield %add3A_272 : vector<16xf32>
      }
      %while3A_135 = arith.constant 1 : i32
      %while3A_136 = scf.for %while3A_258 = %while3A_132 to %while3A_128 step %while3A_135 iter_args(%while3A_259 = %while3A_134) -> (vector<16xf32>)  : i32 {
        %add3A_260 = vector.broadcast %while3A_258 : i32 to vector<16xi32>
        %add3A_261 = arith.addi %sub3A_123, %add3A_260 : vector<16xi32>
        %shift_right_arithmetic3A_262 = arith.constant 10 : i32
        %shift_right_arithmetic3A_263 = vector.broadcast %shift_right_arithmetic3A_262 : i32 to vector<16xi32>
        %shift_right_arithmetic3A_264 = arith.shrsi %add3A_261, %shift_right_arithmetic3A_263 : vector<16xi32>
        %and3A_265 = arith.constant 1023 : i32
        %and3A_266 = vector.broadcast %and3A_265 : i32 to vector<16xi32>
        %and3A_267 = arith.andi %add3A_261, %and3A_266 : vector<16xi32>
        %gather3A_268 = tpu.vector_load_idx %arg9[%shift_right_arithmetic3A_264, %and3A_267] : memref<42x1024xf32, #tpu.memory_space<vmem>>[vector<16xi32>, vector<16xi32>], vector<16xf32>,
        %get3A = arith.index_cast %while3A_258 : i32 to index
        %get3A_269 = arith.constant 0 : index
        %get3A_270 = tpu.vector_load %arg7[%get3A, %get3A_269] {strides = array<i32>} : memref<2048x16xf32, #tpu.memory_space<vmem>>, vector<16xf32>,
        %sub3A_271 = arith.subf %get3A_270, %gather3A_268 : vector<16xf32>
        %abs3A = math.absf %sub3A_271 : vector<16xf32>
        %add3A_272 = arith.addf %while3A_259, %abs3A : vector<16xf32>
        scf.yield %add3A_272 : vector<16xf32>
      }
      %convert_element_type3A_137 = arith.sitofp %gather3A : vector<16xi32> to vector<16xf32>
      %mul3A_138 = arith.constant 1.600000e+01 : f32
      %mul3A_139 = vector.broadcast %mul3A_138 : f32 to vector<16xf32>
      %mul3A_140 = arith.mulf %convert_element_type3A_137, %mul3A_139 : vector<16xf32>
      %div3A = arith.constant 1.000000e+00 : f32
      %div3A_141 = vector.broadcast %div3A : f32 to vector<16xf32>
      %div3A_142 = arith.divf %div3A_141, %mul3A_140 : vector<16xf32>
      %mul3A_143 = arith.mulf %while3A_136, %div3A_142 : vector<16xf32>
      %add3A_144 = arith.addf %scan3A_43, %mul3A_143 : vector<16xf32>
      %add3A_145 = arith.constant 1 : i32
      %add3A_146 = arith.addi %mul3A_45, %add3A_145 : i32
      %mul3A_147 = arith.constant 32 : i32
      %mul3A_148 = arith.muli %add3A_146, %mul3A_147 : i32
      %add3A_149 = arith.addi %mul3A_148, %add3A : i32
      %shift_right_arithmetic3A_150 = arith.constant 6 : i32
      %shift_right_arithmetic3A_151 = arith.shrsi %add3A_149, %shift_right_arithmetic3A_150 : i32
      %and3A_152 = arith.constant 63 : i32
      %and3A_153 = arith.andi %add3A_149, %and3A_152 : i32
      %sub3A_154 = arith.constant 1 : i32
      %sub3A_155 = arith.subi %add3A_146, %sub3A_154 : i32
      %max3A_156 = arith.constant 0 : i32
      %max3A_157 = arith.maxsi %sub3A_155, %max3A_156 : i32
      %mul3A_158 = arith.constant 32 : i32
      %mul3A_159 = arith.muli %max3A_157, %mul3A_158 : i32
      %add3A_160 = arith.addi %mul3A_159, %add3A : i32
      %shift_right_arithmetic3A_161 = arith.constant 6 : i32
      %shift_right_arithmetic3A_162 = arith.shrsi %add3A_160, %shift_right_arithmetic3A_161 : i32
      %and3A_163 = arith.constant 63 : i32
      %and3A_164 = arith.andi %add3A_160, %and3A_163 : i32
      %gt3A_165 = arith.constant 0 : i32
      %gt3A_166 = arith.cmpi sgt, %add3A_146, %gt3A_165 : i32
      %ne3A_167 = arith.cmpi ne, %shift_right_arithmetic3A_151, %shift_right_arithmetic3A_162 : i32
      %and3A_168 = arith.andi %gt3A_166, %ne3A_167 : i1
      %convert_element_type3A_169 = arith.extui %and3A_168 : i1 to i32
      %cond3A_170 = arith.constant 0 : i32
      %cond3A_171 = arith.cmpi ne, %convert_element_type3A_169, %cond3A_170 : i32
      scf.if %cond3A_171 {
        %mul3A_258 = arith.constant 2048 : i32
        %mul3A_259 = arith.muli %shift_right_arithmetic3A_151, %mul3A_258 : i32
        %multiple_of3A_260 = tpu.assume_multiple %mul3A_259, 16 : i32
        "tpu.region"() ({
          %run_scoped3A = tpu.sem_alloc : memref<!tpu.dma_semaphore, #tpu.memory_space<semaphore_mem>>
          %dma_start3A_265 = arith.constant 0 : i32
          %dma_start3A_266 = tpu.memref_slice %arg10[%dma_start3A_265] : memref<2064xi32, #tpu.memory_space<vmem>> -> memref<2048xi32, #tpu.memory_space<vmem>>
          %dma_start3A_267 = tpu.memref_slice %arg3[%multiple_of3A_260] : memref<32768xi32, #tpu.memory_space<hbm>> -> memref<2048xi32, #tpu.memory_space<hbm>>
          %dma_start3A_268 = arith.constant 0 : i32
          %dma_start3A_269 = tpu.memref_slice %arg10[%dma_start3A_268] : memref<2064xi32, #tpu.memory_space<vmem>> -> memref<2048xi32, #tpu.memory_space<vmem>>
          %dma_start3A_270 = tpu.memref_slice %arg3[%multiple_of3A_260] : memref<32768xi32, #tpu.memory_space<hbm>> -> memref<2048xi32, #tpu.memory_space<hbm>>
          tpu.enqueue_dma source(%dma_start3A_270 : memref<2048xi32, #tpu.memory_space<hbm>>) target(%dma_start3A_269 : memref<2048xi32, #tpu.memory_space<vmem>>) target_semaphore(%run_scoped3A : memref<!tpu.dma_semaphore, #tpu.memory_space<semaphore_mem>>)
          %dma_wait3A_271 = arith.constant 0 : i32
          %dma_wait3A_272 = tpu.memref_slice %arg10[%dma_wait3A_271] : memref<2064xi32, #tpu.memory_space<vmem>> -> memref<2048xi32, #tpu.memory_space<vmem>>
          %dma_wait3A_273 = tpu.memref_slice %arg3[%multiple_of3A_260] : memref<32768xi32, #tpu.memory_space<hbm>> -> memref<2048xi32, #tpu.memory_space<hbm>>
          %dma_wait3A_274 = arith.constant 0 : i32
          %dma_wait3A_275 = tpu.memref_slice %arg10[%dma_wait3A_274] : memref<2064xi32, #tpu.memory_space<vmem>> -> memref<2048xi32, #tpu.memory_space<vmem>>
          %dma_wait3A_276 = tpu.memref_slice %arg3[%multiple_of3A_260] : memref<32768xi32, #tpu.memory_space<hbm>> -> memref<2048xi32, #tpu.memory_space<hbm>>
          tpu.wait_dma2 semaphore(%run_scoped3A : memref<!tpu.dma_semaphore, #tpu.memory_space<semaphore_mem>>) src(%dma_wait3A_276 : memref<2048xi32, #tpu.memory_space<hbm>>) dst(%dma_wait3A_275 : memref<2048xi32, #tpu.memory_space<vmem>>)
          tpu.yield
        }) : () -> ()
        %broadcast_in_dim3A_261 = arith.constant 0 : i32
        %broadcast_in_dim3A_262 = vector.broadcast %broadcast_in_dim3A_261 : i32 to vector<16xi32>
        %swap3A_263 = arith.constant 2048 : index
        %swap3A_264 = tpu.vector_load %arg10[%swap3A_263] {strides = array<i32>} : memref<2064xi32, #tpu.memory_space<vmem>>, vector<16xi32>,
        tpu.vector_store %arg10[%swap3A_263], %broadcast_in_dim3A_262 {strides = array<i32>} : memref<2064xi32, #tpu.memory_space<vmem>>, vector<16xi32>,
      } else {
      }
      %broadcast_in_dim3A_172 = vector.broadcast %shift_right_arithmetic3A_151 : i32 to vector<16xi32>
      %gather3A_173 = tpu.vector_load_idx %arg11[%broadcast_in_dim3A_172] : memref<16xi32, #tpu.memory_space<vmem>>[vector<16xi32>], vector<16xi32>,
      %reduce_max3A_174 = arith.constant true
      %reduce_max3A_175 = vector.broadcast %reduce_max3A_174 : i1 to vector<16xi1>
      %reduce_max3A_176 = arith.constant -2147483648 : i32
      %reduce_max3A_177 = vector.broadcast %reduce_max3A_176 : i32 to vector<16xi32>
      %reduce_max3A_178 = arith.xori %gather3A_173, %reduce_max3A_177 : vector<16xi32>
      %reduce_max3A_179 = tpu.scan <max>, %reduce_max3A_178 masked %reduce_max3A_175 : vector<16xi32>, vector<16xi1> -> vector<16xi32>
      %reduce_max3A_180 = arith.xori %reduce_max3A_179, %reduce_max3A_177 : vector<16xi32>
      %reduce_max3A_181 = vector.extract %reduce_max3A_180[15] : i32 from vector<16xi32>
      %mul3A_182 = arith.constant 16 : i32
      %mul3A_183 = arith.muli %and3A_153, %mul3A_182 : i32
      %mul3A_184 = arith.muli %mul3A_183, %reduce_max3A_181 : i32
      %shift_right_arithmetic3A_185 = arith.constant 10 : i32
      %shift_right_arithmetic3A_186 = arith.shrsi %mul3A_184, %shift_right_arithmetic3A_185 : i32
      %and3A_187 = arith.constant -8 : i32
      %and3A_188 = arith.andi %shift_right_arithmetic3A_186, %and3A_187 : i32
      %multiple_of3A_189 = tpu.assume_multiple %and3A_188, 8 : i32
      %dma_start3A_190 = tpu.memref_slice %arg10[%multiple_of3A_189] : memref<2064xi32, #tpu.memory_space<vmem>> -> memref<42xi32, #tpu.memory_space<vmem>>
      %dma_start3A_191 = arith.constant 0 : i32
      %dma_start3A_192 = arith.constant 0 : i32
      %dma_start3A_193 = tpu.memref_slice %arg5[%dma_start3A_191, %dma_start3A_192] : memref<256x1024xf32, #tpu.memory_space<hbm>> -> memref<256x1024xf32, #tpu.memory_space<hbm>>
      tpu.enqueue_indirect_dma source(%dma_start3A_193 : memref<256x1024xf32, #tpu.memory_space<hbm>>) target(%arg9 : memref<42x1024xf32, #tpu.memory_space<vmem>>) offsets(%dma_start3A_190 : memref<42xi32, #tpu.memory_space<vmem>>) semaphore(%arg15 : memref<!tpu.dma_semaphore, #tpu.memory_space<semaphore_mem>>)
      %dma_wait3A_194 = arith.constant 0 : i32
      %dma_wait3A_195 = arith.constant 0 : i32
      %dma_wait3A_196 = arith.constant 0 : i32
      %dma_wait3A_197 = tpu.memref_slice %arg2[%dma_wait3A_194, %dma_wait3A_195, %dma_wait3A_196] : memref<16x2048x1024xf32, #tpu.memory_space<hbm>> -> memref<1x2048x16xf32, #tpu.memory_space<hbm>>
      %dma_wait3A_198 = tpu.memref_squeeze %dma_wait3A_197 : memref<1x2048x16xf32, #tpu.memory_space<hbm>> -> memref<2048x16xf32, #tpu.memory_space<hbm>>
      %dma_wait3A_199 = arith.constant 0 : i32
      %dma_wait3A_200 = arith.constant 0 : i32
      %dma_wait3A_201 = tpu.memref_slice %arg2[%dma_wait3A_194, %dma_wait3A_199, %dma_wait3A_200] : memref<16x2048x1024xf32, #tpu.memory_space<hbm>> -> memref<1x2048x16xf32, #tpu.memory_space<hbm>>
      %dma_wait3A_202 = tpu.memref_squeeze %dma_wait3A_201 : memref<1x2048x16xf32, #tpu.memory_space<hbm>> -> memref<2048x16xf32, #tpu.memory_space<hbm>>
      tpu.wait_dma2 semaphore(%arg14 : memref<!tpu.dma_semaphore, #tpu.memory_space<semaphore_mem>>) src(%dma_wait3A_202 : memref<2048x16xf32, #tpu.memory_space<hbm>>) dst(%arg8 : memref<2048x16xf32, #tpu.memory_space<vmem>>)
      %add3A_203 = arith.constant 1 : i32
      %add3A_204 = arith.addi %add3A_146, %add3A_203 : i32
      %min3A_205 = arith.constant 31 : i32
      %min3A_206 = arith.minsi %add3A_204, %min3A_205 : i32
      %mul3A_207 = arith.constant 32 : i32
      %mul3A_208 = arith.muli %min3A_206, %mul3A_207 : i32
      %add3A_209 = arith.addi %mul3A_208, %add3A : i32
      %shift_right_arithmetic3A_210 = arith.constant 6 : i32
      %shift_right_arithmetic3A_211 = arith.shrsi %add3A_209, %shift_right_arithmetic3A_210 : i32
      %and3A_212 = arith.constant 63 : i32
      %and3A_213 = arith.andi %add3A_209, %and3A_212 : i32
      %mul3A_214 = arith.constant 16 : i32
      %mul3A_215 = arith.muli %and3A_213, %mul3A_214 : i32
      %dma_start3A_216 = arith.constant 0 : i32
      %dma_start3A_217 = tpu.memref_slice %arg2[%shift_right_arithmetic3A_211, %dma_start3A_216, %mul3A_215] : memref<16x2048x1024xf32, #tpu.memory_space<hbm>> -> memref<1x2048x16xf32, #tpu.memory_space<hbm>>
      %dma_start3A_218 = tpu.memref_squeeze %dma_start3A_217 : memref<1x2048x16xf32, #tpu.memory_space<hbm>> -> memref<2048x16xf32, #tpu.memory_space<hbm>>
      %dma_start3A_219 = arith.constant 0 : i32
      %dma_start3A_220 = tpu.memref_slice %arg2[%shift_right_arithmetic3A_211, %dma_start3A_219, %mul3A_215] : memref<16x2048x1024xf32, #tpu.memory_space<hbm>> -> memref<1x2048x16xf32, #tpu.memory_space<hbm>>
      %dma_start3A_221 = tpu.memref_squeeze %dma_start3A_220 : memref<1x2048x16xf32, #tpu.memory_space<hbm>> -> memref<2048x16xf32, #tpu.memory_space<hbm>>
      tpu.enqueue_dma source(%dma_start3A_221 : memref<2048x16xf32, #tpu.memory_space<hbm>>) target(%arg7 : memref<2048x16xf32, #tpu.memory_space<vmem>>) target_semaphore(%arg13 : memref<!tpu.dma_semaphore, #tpu.memory_space<semaphore_mem>>)
      %dma_wait3A_222 = tpu.memref_slice %arg10[%multiple_of3A_189] : memref<2064xi32, #tpu.memory_space<vmem>> -> memref<42xi32, #tpu.memory_space<vmem>>
      %dma_wait3A_223 = arith.constant 0 : i32
      %dma_wait3A_224 = arith.constant 0 : i32
      %dma_wait3A_225 = tpu.memref_slice %arg5[%dma_wait3A_223, %dma_wait3A_224] : memref<256x1024xf32, #tpu.memory_space<hbm>> -> memref<256x1024xf32, #tpu.memory_space<hbm>>
      tpu.wait_indirect_dma semaphore(%arg15 : memref<!tpu.dma_semaphore, #tpu.memory_space<semaphore_mem>>) src(%dma_wait3A_225 : memref<256x1024xf32, #tpu.memory_space<hbm>>) dst(%arg9 : memref<42x1024xf32, #tpu.memory_space<vmem>>)
      %add3A_226 = vector.broadcast %mul3A_183 : i32 to vector<16xi32>
      %add3A_227 = arith.addi %add3A_226, %iota3A : vector<16xi32>
      %mul3A_228 = vector.broadcast %reduce_max3A_181 : i32 to vector<16xi32>
      %mul3A_229 = arith.muli %add3A_227, %mul3A_228 : vector<16xi32>
      %shift_left3A_230 = arith.constant 10 : i32
      %shift_left3A_231 = arith.shli %multiple_of3A_189, %shift_left3A_230 : i32
      %sub3A_232 = vector.broadcast %shift_left3A_231 : i32 to vector<16xi32>
      %sub3A_233 = arith.subi %mul3A_229, %sub3A_232 : vector<16xi32>
      %and3A_234 = arith.constant -8 : i32
      %and3A_235 = arith.andi %reduce_max3A_181, %and3A_234 : i32
      %parallel_loop3A_236 = arith.constant 0 : i32
      %parallel_loop3A_237 = arith.constant 8 : i32
      %parallel_loop3A_238 = scf.for %parallel_loop3A_258 = %parallel_loop3A_236 to %and3A_235 step %parallel_loop3A_237 iter_args(%parallel_loop3A_259 = %broadcast_in_dim3A_1) -> (vector<16xf32>)  : i32 {
        %parallel_loop3A_260 = vector.broadcast %parallel_loop3A_258 : i32 to vector<16xi32>
        %parallel_loop3A_261 = arith.addi %sub3A_233, %parallel_loop3A_260 : vector<16xi32>
        %parallel_loop3A_262 = arith.constant 10 : i32
        %parallel_loop3A_263 = vector.broadcast %parallel_loop3A_262 : i32 to vector<16xi32>
        %parallel_loop3A_264 = arith.shrsi %parallel_loop3A_261, %parallel_loop3A_263 : vector<16xi32>
        %parallel_loop3A_265 = arith.constant 1023 : i32
        %parallel_loop3A_266 = vector.broadcast %parallel_loop3A_265 : i32 to vector<16xi32>
        %parallel_loop3A_267 = arith.andi %parallel_loop3A_261, %parallel_loop3A_266 : vector<16xi32>
        %parallel_loop3A_268 = tpu.vector_load_idx %arg9[%parallel_loop3A_264, %parallel_loop3A_267] : memref<42x1024xf32, #tpu.memory_space<vmem>>[vector<16xi32>, vector<16xi32>], vector<16xf32>,
        %parallel_loop3A_269 = arith.index_cast %parallel_loop3A_258 : i32 to index
        %parallel_loop3A_270 = arith.constant 0 : index
        %parallel_loop3A_271 = tpu.vector_load %arg8[%parallel_loop3A_269, %parallel_loop3A_270] {strides = array<i32>} : memref<2048x16xf32, #tpu.memory_space<vmem>>, vector<16xf32>,
        %parallel_loop3A_272 = arith.subf %parallel_loop3A_271, %parallel_loop3A_268 : vector<16xf32>
        %parallel_loop3A_273 = math.absf %parallel_loop3A_272 : vector<16xf32>
        %parallel_loop3A_274 = arith.constant 1 : i32
        %parallel_loop3A_275 = arith.addi %parallel_loop3A_258, %parallel_loop3A_274 : i32
        %parallel_loop3A_276 = vector.broadcast %parallel_loop3A_275 : i32 to vector<16xi32>
        %parallel_loop3A_277 = arith.addi %sub3A_233, %parallel_loop3A_276 : vector<16xi32>
        %parallel_loop3A_278 = arith.constant 10 : i32
        %parallel_loop3A_279 = vector.broadcast %parallel_loop3A_278 : i32 to vector<16xi32>
        %parallel_loop3A_280 = arith.shrsi %parallel_loop3A_277, %parallel_loop3A_279 : vector<16xi32>
        %parallel_loop3A_281 = arith.constant 1023 : i32
        %parallel_loop3A_282 = vector.broadcast %parallel_loop3A_281 : i32 to vector<16xi32>
        %parallel_loop3A_283 = arith.andi %parallel_loop3A_277, %parallel_loop3A_282 : vector<16xi32>
        %parallel_loop3A_284 = tpu.vector_load_idx %arg9[%parallel_loop3A_280, %parallel_loop3A_283] : memref<42x1024xf32, #tpu.memory_space<vmem>>[vector<16xi32>, vector<16xi32>], vector<16xf32>,
        %parallel_loop3A_285 = arith.index_cast %parallel_loop3A_275 : i32 to index
        %parallel_loop3A_286 = arith.constant 0 : index
        %parallel_loop3A_287 = tpu.vector_load %arg8[%parallel_loop3A_285, %parallel_loop3A_286] {strides = array<i32>} : memref<2048x16xf32, #tpu.memory_space<vmem>>, vector<16xf32>,
        %parallel_loop3A_288 = arith.subf %parallel_loop3A_287, %parallel_loop3A_284 : vector<16xf32>
        %parallel_loop3A_289 = math.absf %parallel_loop3A_288 : vector<16xf32>
        %parallel_loop3A_290 = arith.addf %parallel_loop3A_273, %parallel_loop3A_289 : vector<16xf32>
        %parallel_loop3A_291 = arith.constant 2 : i32
        %parallel_loop3A_292 = arith.addi %parallel_loop3A_258, %parallel_loop3A_291 : i32
        %parallel_loop3A_293 = vector.broadcast %parallel_loop3A_292 : i32 to vector<16xi32>
        %parallel_loop3A_294 = arith.addi %sub3A_233, %parallel_loop3A_293 : vector<16xi32>
        %parallel_loop3A_295 = arith.constant 10 : i32
        %parallel_loop3A_296 = vector.broadcast %parallel_loop3A_295 : i32 to vector<16xi32>
        %parallel_loop3A_297 = arith.shrsi %parallel_loop3A_294, %parallel_loop3A_296 : vector<16xi32>
        %parallel_loop3A_298 = arith.constant 1023 : i32
        %parallel_loop3A_299 = vector.broadcast %parallel_loop3A_298 : i32 to vector<16xi32>
        %parallel_loop3A_300 = arith.andi %parallel_loop3A_294, %parallel_loop3A_299 : vector<16xi32>
        %parallel_loop3A_301 = tpu.vector_load_idx %arg9[%parallel_loop3A_297, %parallel_loop3A_300] : memref<42x1024xf32, #tpu.memory_space<vmem>>[vector<16xi32>, vector<16xi32>], vector<16xf32>,
        %parallel_loop3A_302 = arith.index_cast %parallel_loop3A_292 : i32 to index
        %parallel_loop3A_303 = arith.constant 0 : index
        %parallel_loop3A_304 = tpu.vector_load %arg8[%parallel_loop3A_302, %parallel_loop3A_303] {strides = array<i32>} : memref<2048x16xf32, #tpu.memory_space<vmem>>, vector<16xf32>,
        %parallel_loop3A_305 = arith.subf %parallel_loop3A_304, %parallel_loop3A_301 : vector<16xf32>
        %parallel_loop3A_306 = math.absf %parallel_loop3A_305 : vector<16xf32>
        %parallel_loop3A_307 = arith.constant 3 : i32
        %parallel_loop3A_308 = arith.addi %parallel_loop3A_258, %parallel_loop3A_307 : i32
        %parallel_loop3A_309 = vector.broadcast %parallel_loop3A_308 : i32 to vector<16xi32>
        %parallel_loop3A_310 = arith.addi %sub3A_233, %parallel_loop3A_309 : vector<16xi32>
        %parallel_loop3A_311 = arith.constant 10 : i32
        %parallel_loop3A_312 = vector.broadcast %parallel_loop3A_311 : i32 to vector<16xi32>
        %parallel_loop3A_313 = arith.shrsi %parallel_loop3A_310, %parallel_loop3A_312 : vector<16xi32>
        %parallel_loop3A_314 = arith.constant 1023 : i32
        %parallel_loop3A_315 = vector.broadcast %parallel_loop3A_314 : i32 to vector<16xi32>
        %parallel_loop3A_316 = arith.andi %parallel_loop3A_310, %parallel_loop3A_315 : vector<16xi32>
        %parallel_loop3A_317 = tpu.vector_load_idx %arg9[%parallel_loop3A_313, %parallel_loop3A_316] : memref<42x1024xf32, #tpu.memory_space<vmem>>[vector<16xi32>, vector<16xi32>], vector<16xf32>,
        %parallel_loop3A_318 = arith.index_cast %parallel_loop3A_308 : i32 to index
        %parallel_loop3A_319 = arith.constant 0 : index
        %parallel_loop3A_320 = tpu.vector_load %arg8[%parallel_loop3A_318, %parallel_loop3A_319] {strides = array<i32>} : memref<2048x16xf32, #tpu.memory_space<vmem>>, vector<16xf32>,
        %parallel_loop3A_321 = arith.subf %parallel_loop3A_320, %parallel_loop3A_317 : vector<16xf32>
        %parallel_loop3A_322 = math.absf %parallel_loop3A_321 : vector<16xf32>
        %parallel_loop3A_323 = arith.addf %parallel_loop3A_306, %parallel_loop3A_322 : vector<16xf32>
        %parallel_loop3A_324 = arith.addf %parallel_loop3A_290, %parallel_loop3A_323 : vector<16xf32>
        %parallel_loop3A_325 = arith.constant 4 : i32
        %parallel_loop3A_326 = arith.addi %parallel_loop3A_258, %parallel_loop3A_325 : i32
        %parallel_loop3A_327 = vector.broadcast %parallel_loop3A_326 : i32 to vector<16xi32>
        %parallel_loop3A_328 = arith.addi %sub3A_233, %parallel_loop3A_327 : vector<16xi32>
        %parallel_loop3A_329 = arith.constant 10 : i32
        %parallel_loop3A_330 = vector.broadcast %parallel_loop3A_329 : i32 to vector<16xi32>
        %parallel_loop3A_331 = arith.shrsi %parallel_loop3A_328, %parallel_loop3A_330 : vector<16xi32>
        %parallel_loop3A_332 = arith.constant 1023 : i32
        %parallel_loop3A_333 = vector.broadcast %parallel_loop3A_332 : i32 to vector<16xi32>
        %parallel_loop3A_334 = arith.andi %parallel_loop3A_328, %parallel_loop3A_333 : vector<16xi32>
        %parallel_loop3A_335 = tpu.vector_load_idx %arg9[%parallel_loop3A_331, %parallel_loop3A_334] : memref<42x1024xf32, #tpu.memory_space<vmem>>[vector<16xi32>, vector<16xi32>], vector<16xf32>,
        %parallel_loop3A_336 = arith.index_cast %parallel_loop3A_326 : i32 to index
        %parallel_loop3A_337 = arith.constant 0 : index
        %parallel_loop3A_338 = tpu.vector_load %arg8[%parallel_loop3A_336, %parallel_loop3A_337] {strides = array<i32>} : memref<2048x16xf32, #tpu.memory_space<vmem>>, vector<16xf32>,
        %parallel_loop3A_339 = arith.subf %parallel_loop3A_338, %parallel_loop3A_335 : vector<16xf32>
        %parallel_loop3A_340 = math.absf %parallel_loop3A_339 : vector<16xf32>
        %parallel_loop3A_341 = arith.constant 5 : i32
        %parallel_loop3A_342 = arith.addi %parallel_loop3A_258, %parallel_loop3A_341 : i32
        %parallel_loop3A_343 = vector.broadcast %parallel_loop3A_342 : i32 to vector<16xi32>
        %parallel_loop3A_344 = arith.addi %sub3A_233, %parallel_loop3A_343 : vector<16xi32>
        %parallel_loop3A_345 = arith.constant 10 : i32
        %parallel_loop3A_346 = vector.broadcast %parallel_loop3A_345 : i32 to vector<16xi32>
        %parallel_loop3A_347 = arith.shrsi %parallel_loop3A_344, %parallel_loop3A_346 : vector<16xi32>
        %parallel_loop3A_348 = arith.constant 1023 : i32
        %parallel_loop3A_349 = vector.broadcast %parallel_loop3A_348 : i32 to vector<16xi32>
        %parallel_loop3A_350 = arith.andi %parallel_loop3A_344, %parallel_loop3A_349 : vector<16xi32>
        %parallel_loop3A_351 = tpu.vector_load_idx %arg9[%parallel_loop3A_347, %parallel_loop3A_350] : memref<42x1024xf32, #tpu.memory_space<vmem>>[vector<16xi32>, vector<16xi32>], vector<16xf32>,
        %parallel_loop3A_352 = arith.index_cast %parallel_loop3A_342 : i32 to index
        %parallel_loop3A_353 = arith.constant 0 : index
        %parallel_loop3A_354 = tpu.vector_load %arg8[%parallel_loop3A_352, %parallel_loop3A_353] {strides = array<i32>} : memref<2048x16xf32, #tpu.memory_space<vmem>>, vector<16xf32>,
        %parallel_loop3A_355 = arith.subf %parallel_loop3A_354, %parallel_loop3A_351 : vector<16xf32>
        %parallel_loop3A_356 = math.absf %parallel_loop3A_355 : vector<16xf32>
        %parallel_loop3A_357 = arith.addf %parallel_loop3A_340, %parallel_loop3A_356 : vector<16xf32>
        %parallel_loop3A_358 = arith.constant 6 : i32
        %parallel_loop3A_359 = arith.addi %parallel_loop3A_258, %parallel_loop3A_358 : i32
        %parallel_loop3A_360 = vector.broadcast %parallel_loop3A_359 : i32 to vector<16xi32>
        %parallel_loop3A_361 = arith.addi %sub3A_233, %parallel_loop3A_360 : vector<16xi32>
        %parallel_loop3A_362 = arith.constant 10 : i32
        %parallel_loop3A_363 = vector.broadcast %parallel_loop3A_362 : i32 to vector<16xi32>
        %parallel_loop3A_364 = arith.shrsi %parallel_loop3A_361, %parallel_loop3A_363 : vector<16xi32>
        %parallel_loop3A_365 = arith.constant 1023 : i32
        %parallel_loop3A_366 = vector.broadcast %parallel_loop3A_365 : i32 to vector<16xi32>
        %parallel_loop3A_367 = arith.andi %parallel_loop3A_361, %parallel_loop3A_366 : vector<16xi32>
        %parallel_loop3A_368 = tpu.vector_load_idx %arg9[%parallel_loop3A_364, %parallel_loop3A_367] : memref<42x1024xf32, #tpu.memory_space<vmem>>[vector<16xi32>, vector<16xi32>], vector<16xf32>,
        %parallel_loop3A_369 = arith.index_cast %parallel_loop3A_359 : i32 to index
        %parallel_loop3A_370 = arith.constant 0 : index
        %parallel_loop3A_371 = tpu.vector_load %arg8[%parallel_loop3A_369, %parallel_loop3A_370] {strides = array<i32>} : memref<2048x16xf32, #tpu.memory_space<vmem>>, vector<16xf32>,
        %parallel_loop3A_372 = arith.subf %parallel_loop3A_371, %parallel_loop3A_368 : vector<16xf32>
        %parallel_loop3A_373 = math.absf %parallel_loop3A_372 : vector<16xf32>
        %parallel_loop3A_374 = arith.constant 7 : i32
        %parallel_loop3A_375 = arith.addi %parallel_loop3A_258, %parallel_loop3A_374 : i32
        %parallel_loop3A_376 = vector.broadcast %parallel_loop3A_375 : i32 to vector<16xi32>
        %parallel_loop3A_377 = arith.addi %sub3A_233, %parallel_loop3A_376 : vector<16xi32>
        %parallel_loop3A_378 = arith.constant 10 : i32
        %parallel_loop3A_379 = vector.broadcast %parallel_loop3A_378 : i32 to vector<16xi32>
        %parallel_loop3A_380 = arith.shrsi %parallel_loop3A_377, %parallel_loop3A_379 : vector<16xi32>
        %parallel_loop3A_381 = arith.constant 1023 : i32
        %parallel_loop3A_382 = vector.broadcast %parallel_loop3A_381 : i32 to vector<16xi32>
        %parallel_loop3A_383 = arith.andi %parallel_loop3A_377, %parallel_loop3A_382 : vector<16xi32>
        %parallel_loop3A_384 = tpu.vector_load_idx %arg9[%parallel_loop3A_380, %parallel_loop3A_383] : memref<42x1024xf32, #tpu.memory_space<vmem>>[vector<16xi32>, vector<16xi32>], vector<16xf32>,
        %parallel_loop3A_385 = arith.index_cast %parallel_loop3A_375 : i32 to index
        %parallel_loop3A_386 = arith.constant 0 : index
        %parallel_loop3A_387 = tpu.vector_load %arg8[%parallel_loop3A_385, %parallel_loop3A_386] {strides = array<i32>} : memref<2048x16xf32, #tpu.memory_space<vmem>>, vector<16xf32>,
        %parallel_loop3A_388 = arith.subf %parallel_loop3A_387, %parallel_loop3A_384 : vector<16xf32>
        %parallel_loop3A_389 = math.absf %parallel_loop3A_388 : vector<16xf32>
        %parallel_loop3A_390 = arith.addf %parallel_loop3A_373, %parallel_loop3A_389 : vector<16xf32>
        %parallel_loop3A_391 = arith.addf %parallel_loop3A_357, %parallel_loop3A_390 : vector<16xf32>
        %parallel_loop3A_392 = arith.addf %parallel_loop3A_324, %parallel_loop3A_391 : vector<16xf32>
        %parallel_loop3A_393 = arith.addf %parallel_loop3A_259, %parallel_loop3A_392 : vector<16xf32>
        scf.yield %parallel_loop3A_393 : vector<16xf32>
      } {sc.loop_unroll_factor = 2 : i64, sc.parallel_access}
      %while3A_239 = arith.subi %reduce_max3A_181, %and3A_235 : i32
      %while3A_240 = arith.addi %and3A_235, %while3A_239 : i32
      %while3A_241 = arith.constant 1 : i32
      %while3A_242 = arith.divsi %while3A_239, %while3A_241 : i32
      %while3A_243 = arith.muli %while3A_242, %while3A_241 : i32
      %while3A_244 = arith.addi %and3A_235, %while3A_243 : i32
      %while3A_245 = arith.constant 1 : i32
      %while3A_246 = scf.for %while3A_258 = %and3A_235 to %while3A_244 step %while3A_245 iter_args(%while3A_259 = %parallel_loop3A_238) -> (vector<16xf32>)  : i32 {
        %add3A_260 = vector.broadcast %while3A_258 : i32 to vector<16xi32>
        %add3A_261 = arith.addi %sub3A_233, %add3A_260 : vector<16xi32>
        %shift_right_arithmetic3A_262 = arith.constant 10 : i32
        %shift_right_arithmetic3A_263 = vector.broadcast %shift_right_arithmetic3A_262 : i32 to vector<16xi32>
        %shift_right_arithmetic3A_264 = arith.shrsi %add3A_261, %shift_right_arithmetic3A_263 : vector<16xi32>
        %and3A_265 = arith.constant 1023 : i32
        %and3A_266 = vector.broadcast %and3A_265 : i32 to vector<16xi32>
        %and3A_267 = arith.andi %add3A_261, %and3A_266 : vector<16xi32>
        %gather3A_268 = tpu.vector_load_idx %arg9[%shift_right_arithmetic3A_264, %and3A_267] : memref<42x1024xf32, #tpu.memory_space<vmem>>[vector<16xi32>, vector<16xi32>], vector<16xf32>,
        %get3A = arith.index_cast %while3A_258 : i32 to index
        %get3A_269 = arith.constant 0 : index
        %get3A_270 = tpu.vector_load %arg8[%get3A, %get3A_269] {strides = array<i32>} : memref<2048x16xf32, #tpu.memory_space<vmem>>, vector<16xf32>,
        %sub3A_271 = arith.subf %get3A_270, %gather3A_268 : vector<16xf32>
        %abs3A = math.absf %sub3A_271 : vector<16xf32>
        %add3A_272 = arith.addf %while3A_259, %abs3A : vector<16xf32>
        scf.yield %add3A_272 : vector<16xf32>
      }
      %while3A_247 = arith.constant 1 : i32
      %while3A_248 = scf.for %while3A_258 = %while3A_244 to %while3A_240 step %while3A_247 iter_args(%while3A_259 = %while3A_246) -> (vector<16xf32>)  : i32 {
        %add3A_260 = vector.broadcast %while3A_258 : i32 to vector<16xi32>
        %add3A_261 = arith.addi %sub3A_233, %add3A_260 : vector<16xi32>
        %shift_right_arithmetic3A_262 = arith.constant 10 : i32
        %shift_right_arithmetic3A_263 = vector.broadcast %shift_right_arithmetic3A_262 : i32 to vector<16xi32>
        %shift_right_arithmetic3A_264 = arith.shrsi %add3A_261, %shift_right_arithmetic3A_263 : vector<16xi32>
        %and3A_265 = arith.constant 1023 : i32
        %and3A_266 = vector.broadcast %and3A_265 : i32 to vector<16xi32>
        %and3A_267 = arith.andi %add3A_261, %and3A_266 : vector<16xi32>
        %gather3A_268 = tpu.vector_load_idx %arg9[%shift_right_arithmetic3A_264, %and3A_267] : memref<42x1024xf32, #tpu.memory_space<vmem>>[vector<16xi32>, vector<16xi32>], vector<16xf32>,
        %get3A = arith.index_cast %while3A_258 : i32 to index
        %get3A_269 = arith.constant 0 : index
        %get3A_270 = tpu.vector_load %arg8[%get3A, %get3A_269] {strides = array<i32>} : memref<2048x16xf32, #tpu.memory_space<vmem>>, vector<16xf32>,
        %sub3A_271 = arith.subf %get3A_270, %gather3A_268 : vector<16xf32>
        %abs3A = math.absf %sub3A_271 : vector<16xf32>
        %add3A_272 = arith.addf %while3A_259, %abs3A : vector<16xf32>
        scf.yield %add3A_272 : vector<16xf32>
      }
      %convert_element_type3A_249 = arith.sitofp %gather3A_173 : vector<16xi32> to vector<16xf32>
      %mul3A_250 = arith.constant 1.600000e+01 : f32
      %mul3A_251 = vector.broadcast %mul3A_250 : f32 to vector<16xf32>
      %mul3A_252 = arith.mulf %convert_element_type3A_249, %mul3A_251 : vector<16xf32>
      %div3A_253 = arith.constant 1.000000e+00 : f32
      %div3A_254 = vector.broadcast %div3A_253 : f32 to vector<16xf32>
      %div3A_255 = arith.divf %div3A_254, %mul3A_252 : vector<16xf32>
      %mul3A_256 = arith.mulf %while3A_248, %div3A_255 : vector<16xf32>
      %add3A_257 = arith.addf %add3A_144, %mul3A_256 : vector<16xf32>
      scf.yield %add3A_257 : vector<16xf32>
    }
    %scan3A_31 = arith.constant 16 : i32
    %dma_wait3A = arith.constant 0 : i32
    %dma_wait3A_32 = arith.constant 0 : i32
    %dma_wait3A_33 = arith.constant 0 : i32
    %dma_wait3A_34 = tpu.memref_slice %arg2[%dma_wait3A, %dma_wait3A_32, %dma_wait3A_33] : memref<16x2048x1024xf32, #tpu.memory_space<hbm>> -> memref<1x2048x16xf32, #tpu.memory_space<hbm>>
    %dma_wait3A_35 = tpu.memref_squeeze %dma_wait3A_34 : memref<1x2048x16xf32, #tpu.memory_space<hbm>> -> memref<2048x16xf32, #tpu.memory_space<hbm>>
    %dma_wait3A_36 = arith.constant 0 : i32
    %dma_wait3A_37 = arith.constant 0 : i32
    %dma_wait3A_38 = tpu.memref_slice %arg2[%dma_wait3A, %dma_wait3A_36, %dma_wait3A_37] : memref<16x2048x1024xf32, #tpu.memory_space<hbm>> -> memref<1x2048x16xf32, #tpu.memory_space<hbm>>
    %dma_wait3A_39 = tpu.memref_squeeze %dma_wait3A_38 : memref<1x2048x16xf32, #tpu.memory_space<hbm>> -> memref<2048x16xf32, #tpu.memory_space<hbm>>
    tpu.wait_dma2 semaphore(%arg13 : memref<!tpu.dma_semaphore, #tpu.memory_space<semaphore_mem>>) src(%dma_wait3A_39 : memref<2048x16xf32, #tpu.memory_space<hbm>>) dst(%arg7 : memref<2048x16xf32, #tpu.memory_space<vmem>>)
    %swap3A_40 = arith.constant 0 : index
    %swap3A_41 = tpu.vector_load %arg12[%swap3A_40] {strides = array<i32>} : memref<16xf32, #tpu.memory_space<vmem>>, vector<16xf32>,
    tpu.vector_store %arg12[%swap3A_40], %scan3A_30 {strides = array<i32>} : memref<16xf32, #tpu.memory_space<vmem>>, vector<16xf32>,
    "tpu.region"() ({
      %run_scoped3A = tpu.sem_alloc : memref<!tpu.dma_semaphore, #tpu.memory_space<semaphore_mem>>
      %dma_start3A_42 = arith.constant 0 : i32
      %dma_start3A_43 = tpu.memref_slice %arg6[%add3A, %dma_start3A_42] : memref<32x16xf32, #tpu.memory_space<hbm>> -> memref<1x16xf32, #tpu.memory_space<hbm>>
      %dma_start3A_44 = tpu.memref_squeeze %dma_start3A_43 : memref<1x16xf32, #tpu.memory_space<hbm>> -> memref<16xf32, #tpu.memory_space<hbm>>
      %dma_start3A_45 = arith.constant 0 : i32
      %dma_start3A_46 = tpu.memref_slice %arg6[%add3A, %dma_start3A_45] : memref<32x16xf32, #tpu.memory_space<hbm>> -> memref<1x16xf32, #tpu.memory_space<hbm>>
      %dma_start3A_47 = tpu.memref_squeeze %dma_start3A_46 : memref<1x16xf32, #tpu.memory_space<hbm>> -> memref<16xf32, #tpu.memory_space<hbm>>
      tpu.enqueue_dma source(%arg12 : memref<16xf32, #tpu.memory_space<vmem>>) target(%dma_start3A_47 : memref<16xf32, #tpu.memory_space<hbm>>) target_semaphore(%run_scoped3A : memref<!tpu.dma_semaphore, #tpu.memory_space<semaphore_mem>>)
      %dma_wait3A_48 = arith.constant 0 : i32
      %dma_wait3A_49 = tpu.memref_slice %arg6[%add3A, %dma_wait3A_48] : memref<32x16xf32, #tpu.memory_space<hbm>> -> memref<1x16xf32, #tpu.memory_space<hbm>>
      %dma_wait3A_50 = tpu.memref_squeeze %dma_wait3A_49 : memref<1x16xf32, #tpu.memory_space<hbm>> -> memref<16xf32, #tpu.memory_space<hbm>>
      %dma_wait3A_51 = arith.constant 0 : i32
      %dma_wait3A_52 = tpu.memref_slice %arg6[%add3A, %dma_wait3A_51] : memref<32x16xf32, #tpu.memory_space<hbm>> -> memref<1x16xf32, #tpu.memory_space<hbm>>
      %dma_wait3A_53 = tpu.memref_squeeze %dma_wait3A_52 : memref<1x16xf32, #tpu.memory_space<hbm>> -> memref<16xf32, #tpu.memory_space<hbm>>
      tpu.wait_dma2 semaphore(%run_scoped3A : memref<!tpu.dma_semaphore, #tpu.memory_space<semaphore_mem>>) src(%arg12 : memref<16xf32, #tpu.memory_space<vmem>>) dst(%dma_wait3A_53 : memref<16xf32, #tpu.memory_space<hbm>>)
      tpu.yield
    }) : () -> ()
    return
  }
}

</mosaic_0001>

<sc_bundles>
// kernel: kernel.3.cloned.1.call-start
scs
__scs_entry_jumppad:
0x0: {  	(pc) =	sbr.rel $0x88, $3  }
0x1: {  	(tag) =	ssettag $0x0;
	lr =	simm.s32 $0x1  }
0x2: {  	[smem:$0x3F9D] =	sst lr;
	_ =	strace $0xD0000000  }
0x3: {  	_ = 	snop  }
0x4: {  	_ = 	snop  }
0x5: {  	_ = 	snop  }
0x6: {  	_ = 	snop  }
0x7: {  	_ = 	snop  }
__scs_overlays_trampoline_lowered:
0x8: {  	[smem:$0x3FAC] =	sst s0  }
0x9: {  	[smem:$0x3FAD] =	sst s1  }
0xa: {  	[smem:$0x3FAE] =	sst s2  }
0xb: {  	[smem:$0x3FAF] =	sst s3  }
0xc: {  	[smem:$0x3FB0] =	sst s4  }
0xd: {  	[smem:$0x3FB1] =	sst s5  }
0xe: {  	[smem:$0x3FB2] =	sst s6  }
0xf: {  	[smem:$0x3FB3] =	sst s7  }
0x10: {  	[smem:$0x3FB4] =	sst s8  }
0x11: {  	[smem:$0x3FB5] =	sst s9;
	s0 =	simm.s32 @!p0 $0x0  }
0x12: {  	s1 =	sld [smem:$0x3F9B];
	s0 =	simm.s32 @p0 $0x1  }
0x13: {  	[smem:$0x3FB6] =	sst s0;
	s0 =	simm.s32 @!p1 $0x0  }
0x14: {  	s2 =	sld [smem:$0x3F9A];
	s0 =	simm.s32 @p1 $0x1  }
0x15: {  	[smem:$0x3FB7] =	sst s0;
	s0 =	simm.s32 @!p2 $0x0  }
0x16: {  	s3 =	sld [smem:$0x3FDB];
	s0 =	simm.s32 @p2 $0x1  }
0x17: {  	s4 =	simm.s32 $0x1BF5;
	[smem:$0x3FB9] =	sst s0  }
0x18: {  	s0 =	sld [smem:$0x3F9C];
	_ =	swait.ge [sflag:s4], $0x0  }
0x19: {  	s7 =	sld [smem:$0x3F9D]  }
0x1a: {  	s8 =	sadd.s32 $0xFFFFE003, lr  }
0x1b: {  	s9 =	sadd.s32 $0xFFFFFEF7, lr;
	s5 =	simm.s32 $0xFFFFFFFF;
	p2 =	slt.u32 s8, $0xFFFFF086  }
0x1c: {  	p1 =	slt.u32 s9, $0xF7A;
	s5 =	simm.s32 @!p2 $0x0  }
0x1d: {  	s5 =	simm.s32 @p1 $0x1;
	p0 =	seq.s32 s7, s2  }
0x1e: {  	s7 =	smul.u32 @!p0 $0xF7A, s2;
	p2 =	seq.s32 @!p0 s5, $0x0  }
0x1f: {  	s9 =	smul.u32 $0xF7A, s1;
	s8 =	simm.s32 @!p0 $0x1BF5;
	p2 =	por !p2, p0  }
0x20: {  	[sflag:s8] =	ssyncset.s32 @!p0 $0xFFFFF086;
	s6 =	sadd.s32 @!p0 s3, s7;
	s7 =	simm.s32 @!p0 $0x108  }
0x21: {  	s3 =	sadd.s32 s3, s9;
	s6 =	sadd.s32 @!p0 $0x88, s6;
	s7 =	simm.s32 @p2 $0x1082  }
0x22: {  	[simem:s7], [sflag:s8] =	dma.local @!p0 [hbm:s6], $0xF7A  }
0x23: {  	s9 =	sor.u32 $0xD0000000, s2;
	s6 =	simm.s32 $0x108;
	_ =	swait.ge @!p0 [sflag:s8], $0x0  }
0x24: {  	s3 =	sadd.s32 $0x88, s3;
	s6 =	simm.s32 @!p1 $0x1082;
	[sflag:s4] =	ssyncset.s32 $0xFFFFF086  }
0x25: {  	[simem:s6], [sflag:s4] =	dma.local [hbm:s3], $0xF7A  }
0x26: {  	[smem:$0x3F9D] =	sst s1;
	(tag) =	ssettag s2;
	_ =	strace s9  }
0x27: {  	s1 =	sld [smem:$0x3FAD]  }
0x28: {  	s2 =	sld [smem:$0x3FAE]  }
0x29: {  	s4 =	sld [smem:$0x3FB0]  }
0x2a: {  	p0 =	seq.s32 s5, $0x0;
	s5 =	sld [smem:$0x3FB1]  }
0x2b: {  	s6 =	sld [smem:$0x3FB2]  }
0x2c: {  	s7 =	sld [smem:$0x3FB3]  }
0x2d: {  	s3 =	simm.s32 $0x108;
	s8 =	sld [smem:$0x3FB4]  }
0x2e: {  	s3 =	simm.s32 @!p0 $0x1082;
	s9 =	sld [smem:$0x3FB5]  }
0x2f: {  	lr =	sadd.s32 s0, s3;
	s0 =	sld [smem:$0x3FAC]  }
0x30: {  	s3 =	sld [smem:$0x3FAF]  }
0x31: {  	[smem:$0x3FB8] =	sst s10  }
0x32: {  	s10 =	sld [smem:$0x3FB6];
	_ =	sdelay $0x3  }
0x33: {  	p0 =	seq.s32 s10, $0x1;
	s10 =	sld [smem:$0x3FB8];
	_ =	sdelay $0x3  }
0x34: {  	[smem:$0x3FB8] =	sst s10  }
0x35: {  	s10 =	sld [smem:$0x3FB7];
	_ =	sdelay $0x3  }
0x36: {  	p1 =	seq.s32 s10, $0x1;
	s10 =	sld [smem:$0x3FB8];
	_ =	sdelay $0x3  }
0x37: {  	[smem:$0x3FB8] =	sst s10  }
0x38: {  	s10 =	sld [smem:$0x3FB9]  }
0x39: {  	_ = 	snop;
	(pc) =	sbr.ind lr, $3  }
0x3a: {  	_ = 	snop  }
0x3b: {  	_ = 	snop  }
0x3c: {  	p2 =	seq.s32 s10, $0x1;
	s10 =	sld [smem:$0x3FB8]  }
0x3d: {  	_ =	shalt  }
0x3e: {  	_ =	shalt  }
0x3f: {  	_ =	shalt  }
0x40: {  	_ =	shalt  }
0x41: {  	_ =	shalt  }
0x42: {  	_ =	shalt  }
0x43: {  	_ =	shalt  }
0x44: {  	_ =	shalt  }
0x45: {  	_ =	shalt  }
0x46: {  	_ =	shalt  }
0x47: {  	_ =	shalt  }
0x48: {  	_ =	shalt  }
0x49: {  	_ =	shalt  }
0x4a: {  	_ =	shalt  }
0x4b: {  	_ =	shalt  }
0x4c: {  	_ =	shalt  }
0x4d: {  	_ =	shalt  }
0x4e: {  	_ =	shalt  }
0x4f: {  	_ =	shalt  }
0x50: {  	_ =	shalt  }
0x51: {  	_ =	shalt  }
0x52: {  	_ =	shalt  }
0x53: {  	_ =	shalt  }
0x54: {  	_ =	shalt  }
0x55: {  	_ =	shalt  }
0x56: {  	_ =	shalt  }
0x57: {  	_ =	shalt  }
0x58: {  	_ =	shalt  }
0x59: {  	_ =	shalt  }
0x5a: {  	_ =	shalt  }
0x5b: {  	_ =	shalt  }
0x5c: {  	_ =	shalt  }
0x5d: {  	_ =	shalt  }
0x5e: {  	_ =	shalt  }
0x5f: {  	_ =	shalt  }
0x60: {  	_ =	shalt  }
0x61: {  	_ =	shalt  }
0x62: {  	_ =	shalt  }
0x63: {  	_ =	shalt  }
0x64: {  	_ =	shalt  }
0x65: {  	_ =	shalt  }
0x66: {  	_ =	shalt  }
0x67: {  	_ =	shalt  }
0x68: {  	_ =	shalt  }
0x69: {  	_ =	shalt  }
0x6a: {  	_ =	shalt  }
0x6b: {  	_ =	shalt  }
0x6c: {  	_ =	shalt  }
0x6d: {  	_ =	shalt  }
0x6e: {  	_ =	shalt  }
0x6f: {  	_ =	shalt  }
0x70: {  	_ =	shalt  }
0x71: {  	_ =	shalt  }
0x72: {  	_ =	shalt  }
0x73: {  	_ =	shalt  }
0x74: {  	_ =	shalt  }
0x75: {  	_ =	shalt  }
0x76: {  	_ =	shalt  }
0x77: {  	_ =	shalt  }
0x78: {  	_ =	shalt  }
0x79: {  	_ =	shalt  }
0x7a: {  	_ =	shalt  }
0x7b: {  	_ =	shalt  }
0x7c: {  	_ =	shalt  }
0x7d: {  	_ =	shalt  }
0x7e: {  	_ =	shalt  }
0x7f: {  	_ =	shalt  }
0x80: {  	_ =	shalt  }
0x81: {  	_ =	shalt  }
0x82: {  	_ =	shalt  }
0x83: {  	_ =	shalt  }
0x84: {  	_ =	shalt  }
0x85: {  	_ =	shalt  }
0x86: {  	_ =	shalt  }
0x87: {  	_ =	shalt  }
.Lfunc_end0:
.L_simem_size_0:
called_computation.1_lowered:
.L_overlay_start_0:
0x88: {  	s2 =	sld [smem:$0x3FD9]  }
0x89: {  	s3 =	sld [smem:$0x3FFE];
	_ =	sdelay $0x1  }
0x8a: {  	s1 =	srdreg.scid  }
0x8b: {  	s0 =	sand.u32 $0x1, s1  }
0x8c: {  	s17 =	sshll.u32 s0, $0xA;
	s2 =	sadd.s32 s3, s2  }
0x8d: {  	s2 =	sadd.s32 s2, s17  }
0x8e: {  	[smem:$0x3FC4] =	sst s2  }
0x8f: {  	_ = 	snop  }
0x90: {  	s2 =	sld [smem:$0x3FC7];
	(tm) =	ssettm $0x1  }
0x91: {  	s18 =	sld [smem:$0x3FFB];
	_ =	sdelay $0x3  }
0x92: {  	_ =	strace s18  }
0x93: {  	s3 =	sld [smem:$0x3FFC];
	_ =	sdelay $0x3  }
0x94: {  	_ =	strace s3  }
0x95: {  	s3 =	sld [smem:$0x3FFD];
	_ =	sdelay $0x3  }
0x96: {  	_ =	strace s3  }
0x97: {  	_ =	strace $0x8FFFFFFF  }
0x98: {  	s19 =	sld [smem:$0x3FDB];
	_ =	sdelay $0x1  }
0x99: {  	s4 =	simm.s32 $_scs_section_size  }
0x9a: {  	s5 =	simm.s32 $_size__tile_overlayer_lowered;
	s6 =	simm.s32 $_tile_overlayer_lowered  }
0x9b: {  	s22 =	simm.s32 $0x1BFF;
	s21 =	sshll.u32 s6, $0x1;
	s3 =	sadd.s32 s4, s19  }
0x9c: {  	s7 =	simm.s32 $0x0;
	s20 =	sshll.u32 s5, $0x1;
	s5 =	sadd.s32 s21, s3  }
0x9d: {  	[timem:s7], [sflag:s22] =	dma.local [hbm:s5], s20  }
0x9e: {  	_ =	swait.ge [sflag:s22], s20  }
0x9f: {  	s4 =	ssub.s32 $0x0, s20;
	[sflag:s22] =	ssyncset.done $0x0  }
0xa0: {  	[sflag:s22] =	ssyncadd.s32 s4;
	_ =	sdelay $0x1  }
0xa1: {  	s23 =	simm.s32 $0x1B8B  }
0xa2: {  	_ =	swait.ge [sflag:s23], $0x1  }
0xa3: {  	[sflag:s23] =	ssyncset.done $0x0  }
0xa4: {  	s25 =	simm.s32 $0x1B8E;
	s24 =	sld [smem:$0x3FFE];
	[sflag:s23] =	ssyncadd.s32 $0xFFFFFFFF  }
0xa5: {  	s26 =	simm.s32 $execute0_lowered;
	[smem:$0x3FD2] =	sst s25  }
0xa6: {  	s5 =	sshll.u32 s26, $0x1;
	_ =	strace $0x80000049;
	[dreg:$0x1] =	wrdreg $0xFFFFFFFF  }
0xa7: {  	s28 =	simm.s32 $_size_execute0_lowered;
	s3 =	sadd.s32 s3, s5;
	[dreg:$0x0] =	wrdreg $0x0  }
0xa8: {  	s5 =	sshll.u32 s28, $0x1;
	[dreg:$0x2] =	wrdreg s3  }
0xa9: {  	[dreg:$0x3] =	wrdreg s5  }
0xaa: {  	[dreg:$0x4] =	wrdreg $0xC0  }
0xab: {  	_ =	task [dreg:s7], $0x5FFFF  }
0xac: {  	[dreg:$0x1] =	wrdreg $0xFFFFFFFF  }
0xad: {  	[dreg:$0x0] =	wrdreg $0x60  }
0xae: {  	[dreg:$0x2] =	wrdreg s24  }
0xaf: {  	[dreg:$0x3] =	wrdreg s2  }
0xb0: {  	[dreg:$0x4] =	wrdreg $0x9  }
0xb1: {  	_ =	task.clear_ibuf [dreg:s7], $0x5FFFF;
	_ =	strace $0x90000049  }
0xb2: {  	s29 =	simm.s32 $0x9;
	_ =	strace $0x8000004B  }
0xb3: {  	_ =	swait.ge [sflag:s29], $0x1  }
0xb4: {  	[sflag:s29] =	ssyncadd.s32 $0xFFFFFFFF  }
0xb5: {  	_ =	strace $0x9000004B  }
0xb6: {  	_ =	sfence  }
0xb7: {  	s30 =	sld [smem:$0x0];
	_ =	sdelay $0x2  }
0xb8: {  	s31 =	sshll.u32 s1, $0xD;
	s1 =	sshrl.u32 s1, $0x2  }
0xb9: {  	s3 =	sand.u32 $0x4000, s31;
	s1 =	sadd.s32 s1, s30  }
0xba: {  	s0 =	sor.u32 s3, s0;
	s1 =	sshll.u32 s1, $0x11  }
0xbb: {  	s0 =	sor.u32 s1, s0  }
0xbc: {  	s0 =	sadd.s32 $0x8F2B, s0  }
0xbd: {  	[sflag:s0] =	ssyncadd.remote.s32 $0x1  }
0xbe: {  	_ =	sfence.sel $0xFFFF  }
0xbf: {  	[dreg:$0x0] =	wrdreg $0xFFFFFFFF;
	(pc) =	sbr.abs _section_cstart, $3  }
0xc0: {  	[dreg:$0x1] =	wrdreg $0xFFFFFFFF  }
0xc1: {  	_ =	task.clear_ibuf [dreg:s7], $0x2FFFF;
	_ =	strace $0x9FFFFFFF  }
0xc2: {  	(tm) =	ssettm $0x7FFFFFFF  }
0xc3: {  	_ =	shalt  }
tec
execute0_lowered:
.L_overlay_start_1:
0x0: {  	(tag) =	ssettag $0x1  }
0x1: {  	s0 =	rddreg [dreg:$0x0];
	s3 =	simm.s32 $0x0;
	s1 =	srdreg.scid  }
0x2: {  	s2 =	stileid.u32;
	s14 =	simm.s32 $0x1B010;
	s15 =	simm.s32 $0x4  }
0x3: {  	s17 =	simm.s32 $0x10;
	s18 =	simm.s32 $0x400;
	s19 =	simm.s32 $0x2A  }
0x4: {  	s20 =	simm.s32 $0x10000;
	s21 =	simm.s32 $0x1;
	s22 =	simm.s32 $0x8000  }
0x5: {  	s23 =	simm.s32 $0x3;
	s24 =	simm.s32 $0x2;
	s25 =	simm.s32 $0x1B020  }
0x6: {  	s26 =	simm.s32 $0x0;
	[smem:$0x7FF] =	sst s3;
	s1 =	sand.u32 $0x1, s1  }
0x7: {  	s2 =	sshll.u32 s2, $0x1;
	s5 =	sadd.s32 $0x800, s0;
	s6 =	sadd.s32 $0x400800, s0  }
.Ltmp0:
0x8: {  	s7 =	sadd.s32 $0x401800, s0;
	s4 =	sor.u32 s1, s2;
	(pc) =	sbr.rel .LBB2_1-.Ltmp0, $4  }
0x9: {  	_ =	strace $0x8000004A;
	s1 =	ssub.s32 $0x2, s1;
	s2 =	sshll.u32 s4, $0x1  }
0xa: {  	s10 =	sshrl.u32 s1, $0x1;
	s9 =	sshll.u32 s4, $0x4;
	s0 =	sadd.s32 s2, s0  }
0xb: {  	v1 =	vlaneseq.u32;
	s8 =	sadd.s32 s5, s2;
	s1 =	ssub.s32 s1, s10;
	s11 =	sor.u32 $0x200, s9  }
0xc: {  	v2 =	vimm.s32 $0x0;
	v0 =	vor.u32 s9, v1;
	s10 =	sadd.s32 $0x40, s8;
	s12 =	sadd.s32 $0x409800, s0;
	s13 =	smax.u32 s1, $0x1;
	v1 =	vor.u32 s11, v1  }
.LBB2_35:
0xd: {  	_ =	swait.ge [sflag:s21], $0x8000  }
0xe: {  	s26 =	sadd.s32 $0x1, s26;
	[sflag:s21] =	ssyncset.done $0x0  }
0xf: {  	p0 =	sne.s32 s26, s13;
	[sflag:s21] =	ssyncadd.s32 $0xFFFF8000  }
.Ltmp1:
0x10: {  	[tilespmem:$0x1B020] =	vst v3;
	(pc) =	sbr.rel @!p0 .LBB2_36-.Ltmp1, $4  }
0x11: {  	[hbm4b:s12+s3] =	stream.linear.scatter [tilespmem:s25], [sflag:$0x4], $0x10, $0x38;
	[tilespmem:$0x1B030] =	vst v63  }
0x12: {  	_ =	swait.ge [sflag:s15], $0x10  }
0x13: {  	[sflag:s15] =	ssyncset.done $0x0  }
0x14: {  	[sflag:s15] =	ssyncadd.s32 $0xFFFFFFF0  }
.LBB2_1:
0x15: {  	s0 =	rddreg [dreg:$0x1]  }
0x16: {  	[tilespmem:s14], [sflag:$0x4] =	stream.linear.gather [hbm4b:s0+s3], $0x10, $0x38;
	[tilespmem:$0x1B030] =	vst v63  }
0x17: {  	_ =	swait.ge [sflag:s15], $0x10  }
0x18: {  	[sflag:s15] =	ssyncset.done $0x0  }
0x19: {  	s31 =	simm.s32 $0x1A800;
	[sflag:s15] =	ssyncadd.s32 $0xFFFFFFF0  }
0x1a: {  	[tilespmem:s31], [sflag:$0x4] =	stream.linear.gather [hbm4b:s6+s3], $0x800, $0x38;
	[tilespmem:$0x1B030] =	vst v63  }
.Ltmp2:
0x1b: {  	_ =	swait.ge [sflag:s15], $0x800;
	(pc) =	sbr.rel .LBB2_2-.Ltmp2, $4  }
0x1c: {  	[sflag:s15] =	ssyncset.done $0x0  }
0x1d: {  	[sflag:s15] =	ssyncadd.s32 $0xFFFFF800  }
0x1e: {  	s28 =	simm.s32 $0x0;
	[tilespmem:$0x1B000] =	vst v2  }
0x1f: {  	v3 =	vimm.f32 $0.0e+00;
	[tilespmem:s3], [sflag:$0x1] =	stream.strided.gather [hbm4b:s8+s17], $0x8000, s18, s17, $0x38;
	[tilespmem:$0x1B030] =	vst v63  }
.LBB2_27:
0x20: {  	_ = 	snop  }
0x21: {  	s0 =	smov.u32 s1;
	v11 =	vmov v9  }
.LBB2_33:
0x22: {  	_ =	sdelay $0x2  }
0x23: {  	s0 =	sadd.s32 @p0 $0x10, s0  }
0x24: {  	v7 =	vld.idx.msk [tilespmem:v8+s20+$0x0], $0xffff;
	s1 =	smov.u32 @p0 s0  }
0x25: {  	v8 =	vld [tilespmem:s1+$0x0]  }
0x26: {  	v10 =	vsub.f32 @p0 v10, v12  }
0x27: {  	v11 =	vadd.f32 @p1 v13, v11  }
0x28: {  	v10 =	vand.u32 @p0 $0x7FFFFFFF, v10  }
0x29: {  	v11 =	vpsel p1, v11, v9;
	v10 =	vpsel p0, v10, v0  }
0x2a: {  	v10 =	vadd.f32 @p0 v10, v11;
	v7 =	vsub.f32 v8, v7;
	_ =	sdelay $0x1  }
0x2b: {  	v8 =	vpsel p0, v10, v9;
	v7 =	vand.u32 $0x7FFFFFFF, v7  }
0x2c: {  	v9 =	vadd.f32 v7, v8  }
.LBB2_34:
0x2d: {  	v5 =	vcvt.s32.f32 v5;
	_ =	sdelay $0x1  }
0x2e: {  	v5 =	vmul.f32 $1.600000000e+01, v5;
	_ =	sdelay $0x1  }
0x2f: {  	(erf) = vrcp.f32 v5;
	_ =	sdelay $0x5  }
0x30: {  	s28 =	sadd.s32 $0x1, s28  }
0x31: {  	p0 =	sne.s32 s28, $0x10  }
.Ltmp3:
0x32: {  	v4 =	vmul.f32 v4, v6;
	(pc) =	sbr.rel @!p0 .LBB2_35-.Ltmp3, $3  }
0x33: {  	v5 =	vpop (erf)  }
0x34: {  	v3 =	vadd.f32 v4, v3;
	v4 =	vmul.f32 v9, v5;
	_ =	sdelay $0x1  }
0x35: {  	v3 =	vadd.f32 v4, v3  }
.LBB2_2:
0x36: {  	s29 =	sshll.u32 s28, $0x1  }
0x37: {  	s0 =	smax.u32 s29, $0x1  }
0x38: {  	s0 =	sshll.u32 s0, $0x5  }
0x39: {  	s0 =	sadd.s32 $0xFFFFFFE0, s0  }
0x3a: {  	p0 =	seq.s32 s28, $0x0;
	s0 =	sshrl.u32 s0, $0x6  }
0x3b: {  	p1 =	seq.s32 @!p0 s28, s0  }
0x3c: {  	p0 =	por p1, p0  }
0x3d: {  	s0 =	sshll.u32 @!p0 s28, $0x8  }
0x3e: {  	s1 =	simm.s32 @!p0 $0x0;
	s2 =	simm.s32 @!p0 $0x1A800;
	s0 =	sadd.s32 @!p0 s6, s0  }
0x3f: {  	[tilespmem:s2], [sflag:$0x4] =	stream.linear.gather @!p0 [hbm4b:s0+s1], $0x800, $0x38;
	[tilespmem:$0x1B030] =	vst v63  }
0x40: {  	v5 =	vmov s28;
	s0 =	simm.s32 @!p0 $0x4  }
0x41: {  	_ =	swait.ge @!p0 [sflag:s0], $0x800  }
0x42: {  	[sflag:s0] =	ssyncset.done @!p0 $0x0  }
0x43: {  	v4 =	vimm.s32 @!p0 $0x0;
	[sflag:s0] =	ssyncadd.s32 @!p0 $0xFFFFF800  }
0x44: {  	[tilespmem:$0x1B000] =	vst @!p0 v4  }
0x45: {  	v6 =	vld.idx.msk [tilespmem:v5+s14+$0x0], $0xffff;
	_ =	sdelay $0x4  }
0x46: {  	v4 =	vxor.u32 $0x80000000, v6  }
0x47: {  	(xrf0) =	vmax.scan.msk.u32 $0xffff, v4;
	_ =	sdelay $0x5  }
0x48: {  	v4, _, _ =	vpop (xrf0)  }
0x49: {  	(v2sf) =	vpush v4, $0xF;
	_ =	sdelay $0xe  }
0x4a: {  	s1 =	spop (v2sf)  }
0x4b: {  	s30 =	sxor.u32 $0x80000000, s1  }
0x4c: {  	s0 =	smul.u32 s9, s30;
	_ =	sdelay $0x1  }
0x4d: {  	s0 =	sshra.s32 s0, $0xA  }
0x4e: {  	s0 =	sand.u32 $0xFFFFFFF8, s0  }
0x4f: {  	s2 =	sadd.s32 $0x1A800, s0  }
0x50: {  	[tilespmem:s20], [sflag:$0x3] =	stream.indirect.gather [hbm4b:s7+s19], $0x400, s2, s19, $0xb8;
	[tilespmem:$0x1B030] =	vst v63  }
0x51: {  	_ =	swait.ge [sflag:s21], $0x8000  }
0x52: {  	s16 =	sshll.u32 s28, $0x12;
	p0 =	slt.s32 s30, $0x10;
	[sflag:s21] =	ssyncset.done $0x0  }
.Ltmp4:
0x53: {  	s1 =	sadd.s32 s16, s10;
	[sflag:s21] =	ssyncadd.s32 $0xFFFF8000;
	(pc) =	sbr.rel @p0 .LBB2_6-.Ltmp4, $4  }
0x54: {  	[tilespmem:s22], [sflag:$0x2] =	stream.strided.gather [hbm4b:s1+s17], $0x8000, s18, s17, $0x38;
	[tilespmem:$0x1B030] =	vst v63  }
0x55: {  	v4 =	vmul.u32 s30, v0;
	s0 =	sshll.u32 s0, $0xA;
	_ =	swait.ge [sflag:s23], $0xA800  }
0x56: {  	v7 =	vmov s0;
	[sflag:s23] =	ssyncset.done $0x0  }
0x57: {  	s31 =	sand.u32 $0xFFFFFFF0, s30;
	v8 =	vand.u32 $0x7, v4;
	v7 =	vsub.s32 v4, v7;
	v4 =	vimm.f32 $0.0e+00;
	[sflag:s23] =	ssyncadd.s32 $0xFFFF5800  }
0x58: {  	s1 =	simm.s32 $0x80  }
0x59: {  	v16 =	vld [tilespmem:s1+$0x10]  }
0x5a: {  	v17 =	vld [tilespmem:s1+$0x20]  }
0x5b: {  	v19 =	vld [tilespmem:s1+$0x30]  }
0x5c: {  	v29 =	vld [tilespmem:s1+$0x40]  }
0x5d: {  	v32 =	vld [tilespmem:s1+$0x50]  }
0x5e: {  	v35 =	vld [tilespmem:s1+$0x60]  }
0x5f: {  	v36 =	vld [tilespmem:s1+$0x70]  }
0x60: {  	v9 =	vld [tilespmem:s1+$0xFFFFFF80]  }
0x61: {  	s2 =	simm.s32 $0x9;
	v10 =	vld [tilespmem:s1+$0xFFFFFF90]  }
0x62: {  	s16 =	simm.s32 $0xA;
	v18 =	vadd.s32 s2, v7;
	v11 =	vld [tilespmem:s1+$0xFFFFFFA0]  }
0x63: {  	v20 =	vadd.s32 s16, v7;
	v12 =	vld [tilespmem:s1+$0xFFFFFFB0];
	s16 =	simm.s32 $0xB  }
0x64: {  	v13 =	vld [tilespmem:s1+$0xFFFFFFC0];
	v21 =	vadd.s32 s16, v7;
	s16 =	simm.s32 $0xC  }
0x65: {  	v14 =	vld [tilespmem:s1+$0xFFFFFFD0];
	v22 =	vadd.s32 s16, v7;
	s16 =	simm.s32 $0xD  }
0x66: {  	v15 =	vld [tilespmem:s1+$0xFFFFFFE0];
	v23 =	vadd.s32 s16, v7;
	s16 =	simm.s32 $0xE  }
0x67: {  	s2 =	simm.s32 $0xF;
	v26 =	vld.idx.msk [tilespmem:v18+s20+$0x0], $0xffff;
	v18 =	vadd.s32 s16, v7  }
0x68: {  	s16 =	simm.s32 $0x1;
	v27 =	vld.idx.msk [tilespmem:v20+s20+$0x0], $0xffff;
	v20 =	vadd.s32 s2, v7  }
0x69: {  	v24 =	vadd.s32 s16, v7;
	s16 =	simm.s32 $0x2;
	v28 =	vld.idx.msk [tilespmem:v21+s20+$0x0], $0xffff  }
0x6a: {  	v21 =	vadd.s32 s16, v7;
	s16 =	simm.s32 $0x3;
	v30 =	vld.idx.msk [tilespmem:v22+s20+$0x0], $0xffff  }
0x6b: {  	v22 =	vadd.s32 s16, v7;
	s16 =	simm.s32 $0x4;
	v34 =	vld.idx.msk [tilespmem:v23+s20+$0x0], $0xffff  }
0x6c: {  	v23 =	vadd.s32 s16, v7;
	s16 =	simm.s32 $0x5;
	v37 =	vld.idx.msk [tilespmem:v18+s20+$0x0], $0xffff  }
0x6d: {  	s0 =	simm.s32 $0x0;
	s2 =	simm.s32 $0x7;
	v25 =	vadd.s32 s16, v7;
	v38 =	vld.idx.msk [tilespmem:v20+s20+$0x0], $0xffff  }
0x6e: {  	v33 =	vadd.s32 s2, v7;
	v20 =	vadd.s32 s0, v7;
	v18 =	vld.idx.msk [tilespmem:v24+s20+$0x0], $0xffff  }
0x6f: {  	s16 =	simm.s32 $0x6;
	v31 =	vand.u32 $0xFFFFFFF8, v20;
	v20 =	vld.idx.msk [tilespmem:v21+s20+$0x0], $0xffff  }
0x70: {  	v24 =	vadd.s32 s16, v7;
	v22 =	vld.idx.msk [tilespmem:v22+s20+$0x0], $0xffff  }
0x71: {  	s16 =	simm.s32 $0x8;
	v31 =	vor.u32 v8, v31;
	v23 =	vld.idx.msk [tilespmem:v23+s20+$0x0], $0xffff  }
0x72: {  	p0 =	sgt.s32 s31, $0x10;
	v26 =	vsub.f32 v16, v26;
	v16 =	vadd.s32 s16, v7;
	v21 =	vld.idx.msk [tilespmem:v25+s20+$0x0], $0xffff  }
.Ltmp5:
0x73: {  	v16 =	vand.u32 $0xFFFFFFF8, v16;
	v25 =	vld.idx.msk [tilespmem:v33+s20+$0x0], $0xffff;
	(pc) =	sbr.rel @!p0 .LBB2_5-.Ltmp5, $4  }
0x74: {  	v30 =	vsub.f32 v29, v30;
	v29 =	vsub.f32 v32, v34;
	v34 =	vor.u32 v8, v16;
	v33 =	vld [tilespmem:s1+$0xFFFFFFF0]  }
0x75: {  	v24 =	vld.idx.msk [tilespmem:v24+s20+$0x0], $0xffff  }
0x76: {  	v27 =	vsub.f32 v17, v27;
	v28 =	vsub.f32 v19, v28;
	v31 =	vld.idx.msk [tilespmem:v31+s20+$0x0], $0xffff  }
0x77: {  	v4 =	vimm.f32 $0.0e+00;
	s0 =	simm.s32 $0x10;
	v19 =	vld [tilespmem:s1+$0x0];
	v32 =	vsub.f32 v35, v37;
	v17 =	vsub.f32 v36, v38;
	s1 =	simm.s32 $0x180  }
.LBB2_4:
0x78: {  	s2 =	sadd.s32 $0x9, s0;
	v16 =	vld [tilespmem:s1+$0x10];
	v10 =	vsub.f32 v10, v18;
	v11 =	vsub.f32 v11, v20  }
0x79: {  	v12 =	vsub.f32 v12, v22;
	v13 =	vsub.f32 v13, v23;
	v18 =	vadd.s32 s2, v7;
	s2 =	sadd.s32 $0xA, s0;
	v20 =	vld.idx.msk [tilespmem:v34+s20+$0x0], $0xffff  }
0x7a: {  	v14 =	vsub.f32 v14, v21;
	v15 =	vsub.f32 v15, v24;
	v22 =	vadd.s32 s2, v7;
	v35 =	vld [tilespmem:s1+$0x20]  }
0x7b: {  	v24 =	vand.u32 $0x7FFFFFFF, v26;
	v21 =	vsub.f32 v9, v31;
	v36 =	vld [tilespmem:s1+$0x30];
	v23 =	vsub.f32 v33, v25  }
0x7c: {  	v26 =	vand.u32 $0x7FFFFFFF, v28;
	v25 =	vand.u32 $0x7FFFFFFF, v27;
	v27 =	vand.u32 $0x7FFFFFFF, v30;
	v37 =	vld [tilespmem:s1+$0x40]  }
0x7d: {  	v28 =	vand.u32 $0x7FFFFFFF, v10;
	v10 =	vand.u32 $0x7FFFFFFF, v29;
	v29 =	vand.u32 $0x7FFFFFFF, v32;
	v38 =	vld [tilespmem:s1+$0x50]  }
0x7e: {  	v12 =	vand.u32 $0x7FFFFFFF, v12;
	v30 =	vand.u32 $0x7FFFFFFF, v11;
	v11 =	vand.u32 $0x7FFFFFFF, v13;
	v32 =	vld [tilespmem:s1+$0x60]  }
0x7f: {  	v13 =	vand.u32 $0x7FFFFFFF, v14;
	v14 =	vand.u32 $0x7FFFFFFF, v15;
	v15 =	vsub.f32 v19, v20;
	v39 =	vld [tilespmem:s1+$0x70]  }
0x80: {  	v19 =	vand.u32 $0x7FFFFFFF, v23;
	v20 =	vadd.f32 v26, v25;
	v23 =	vadd.f32 v10, v27;
	v9 =	vld [tilespmem:s1+$0xFFFFFF80]  }
0x81: {  	v21 =	vand.u32 $0x7FFFFFFF, v21;
	v13 =	vadd.f32 v13, v11;
	v14 =	vadd.f32 v19, v14;
	v10 =	vld [tilespmem:s1+$0xFFFFFF90]  }
0x82: {  	v17 =	vand.u32 $0x7FFFFFFF, v17;
	v19 =	vadd.f32 v28, v21;
	v21 =	vadd.f32 v12, v30;
	v11 =	vld [tilespmem:s1+$0xFFFFFFA0]  }
0x83: {  	s2 =	sadd.s32 $0xB, s0;
	v25 =	vadd.f32 v14, v13;
	v14 =	vand.u32 $0x7FFFFFFF, v15;
	v15 =	vadd.f32 v17, v29;
	v12 =	vld [tilespmem:s1+$0xFFFFFFB0]  }
0x84: {  	v17 =	vadd.s32 s2, v7;
	s2 =	sadd.s32 $0xC, s0;
	v19 =	vadd.f32 v21, v19;
	v21 =	vadd.f32 v24, v14;
	v13 =	vld [tilespmem:s1+$0xFFFFFFC0]  }
0x85: {  	v24 =	vadd.s32 s2, v7;
	s2 =	sadd.s32 $0xD, s0;
	v23 =	vadd.f32 v15, v23;
	v14 =	vld [tilespmem:s1+$0xFFFFFFD0]  }
0x86: {  	v26 =	vadd.s32 s2, v7;
	s2 =	sadd.s32 $0xE, s0;
	v19 =	vadd.f32 v25, v19;
	v20 =	vadd.f32 v20, v21;
	v15 =	vld [tilespmem:s1+$0xFFFFFFE0]  }
0x87: {  	v27 =	vld.idx.msk [tilespmem:v18+s20+$0x0], $0xffff;
	v18 =	vadd.s32 s2, v7;
	s2 =	sadd.s32 $0xF, s0  }
0x88: {  	s16 =	sadd.s32 $0x1, s0;
	v4 =	vadd.f32 v19, v4;
	v19 =	vadd.f32 v23, v20;
	v28 =	vld.idx.msk [tilespmem:v22+s20+$0x0], $0xffff;
	v21 =	vadd.s32 s2, v7  }
0x89: {  	v20 =	vadd.s32 s16, v7;
	s2 =	sadd.s32 $0x2, s0;
	v17 =	vld.idx.msk [tilespmem:v17+s20+$0x0], $0xffff  }
0x8a: {  	v4 =	vadd.f32 v19, v4;
	v22 =	vadd.s32 s2, v7;
	s2 =	sadd.s32 $0x3, s0;
	v29 =	vld.idx.msk [tilespmem:v24+s20+$0x0], $0xffff  }
0x8b: {  	v19 =	vadd.s32 s2, v7;
	s2 =	sadd.s32 $0x4, s0;
	v40 =	vld.idx.msk [tilespmem:v26+s20+$0x0], $0xffff  }
0x8c: {  	v23 =	vadd.s32 s2, v7;
	s2 =	sadd.s32 $0x5, s0;
	v41 =	vld.idx.msk [tilespmem:v18+s20+$0x0], $0xffff  }
0x8d: {  	v24 =	vadd.s32 s2, v7;
	s2 =	sadd.s32 $0x6, s0;
	v42 =	vld.idx.msk [tilespmem:v21+s20+$0x0], $0xffff  }
0x8e: {  	v21 =	vadd.s32 s0, v7;
	v25 =	vadd.s32 s2, v7;
	s2 =	sadd.s32 $0x7, s0;
	v18 =	vld.idx.msk [tilespmem:v20+s20+$0x0], $0xffff  }
0x8f: {  	v21 =	vand.u32 $0xFFFFFFF8, v21;
	v26 =	vadd.s32 s2, v7;
	v20 =	vld.idx.msk [tilespmem:v22+s20+$0x0], $0xffff  }
0x90: {  	v30 =	vor.u32 v8, v21;
	v22 =	vld.idx.msk [tilespmem:v19+s20+$0x0], $0xffff  }
0x91: {  	s2 =	sadd.s32 $0x8, s0;
	s0 =	sadd.s32 $0x10, s0;
	v23 =	vld.idx.msk [tilespmem:v23+s20+$0x0], $0xffff  }
0x92: {  	p0 =	slt.s32 s0, s31;
	v19 =	vadd.s32 s2, v7;
	v21 =	vld.idx.msk [tilespmem:v24+s20+$0x0], $0xffff  }
.Ltmp6:
0x93: {  	v19 =	vand.u32 $0xFFFFFFF8, v19;
	v24 =	vld.idx.msk [tilespmem:v25+s20+$0x0], $0xffff;
	(pc) =	sbr.rel @p0 .LBB2_4-.Ltmp6, $4  }
0x94: {  	v34 =	vor.u32 v8, v19;
	v25 =	vld.idx.msk [tilespmem:v26+s20+$0x0], $0xffff;
	v26 =	vsub.f32 v16, v27  }
0x95: {  	v27 =	vsub.f32 v35, v28;
	v28 =	vsub.f32 v36, v17;
	v31 =	vld.idx.msk [tilespmem:v30+s20+$0x0], $0xffff  }
0x96: {  	v30 =	vsub.f32 v37, v29;
	v29 =	vsub.f32 v38, v40;
	v33 =	vld [tilespmem:s1+$0xFFFFFFF0]  }
0x97: {  	v32 =	vsub.f32 v32, v41;
	v17 =	vsub.f32 v39, v42;
	v19 =	vld [tilespmem:s1+$0x0];
	s1 =	sadd.s32 $0x100, s1  }
.LBB2_5:
0x98: {  	v10 =	vsub.f32 v10, v18  }
0x99: {  	v11 =	vsub.f32 v11, v20;
	v12 =	vsub.f32 v12, v22  }
0x9a: {  	v13 =	vsub.f32 v13, v23;
	v14 =	vsub.f32 v14, v21;
	v53 =	vand.u32 $0x7FFFFFFF, v26  }
0x9b: {  	v54 =	vand.u32 $0x7FFFFFFF, v27;
	v55 =	vand.u32 $0x7FFFFFFF, v28;
	v56 =	vand.u32 $0x7FFFFFFF, v30  }
0x9c: {  	v16 =	vld.idx.msk [tilespmem:v34+s20+$0x0], $0xffff;
	v57 =	vand.u32 $0x7FFFFFFF, v29;
	v58 =	vand.u32 $0x7FFFFFFF, v32;
	v59 =	vadd.f32 v55, v54  }
0x9d: {  	v60 =	vadd.f32 v57, v56;
	v15 =	vsub.f32 v15, v24;
	v10 =	vand.u32 $0x7FFFFFFF, v10  }
0x9e: {  	v11 =	vand.u32 $0x7FFFFFFF, v11;
	v12 =	vand.u32 $0x7FFFFFFF, v12;
	v52 =	vsub.f32 v33, v25  }
0x9f: {  	v13 =	vand.u32 $0x7FFFFFFF, v13;
	v14 =	vand.u32 $0x7FFFFFFF, v14;
	v9 =	vsub.f32 v9, v31  }
0xa0: {  	v13 =	vadd.f32 v14, v13;
	v15 =	vand.u32 $0x7FFFFFFF, v15;
	v18 =	vand.u32 $0x7FFFFFFF, v52  }
0xa1: {  	v16 =	vsub.f32 v19, v16;
	v9 =	vand.u32 $0x7FFFFFFF, v9;
	v61 =	vadd.f32 v18, v15  }
0xa2: {  	v9 =	vadd.f32 v10, v9;
	v10 =	vadd.f32 v12, v11;
	v11 =	vand.u32 $0x7FFFFFFF, v17  }
0xa3: {  	v63 =	vand.u32 $0x7FFFFFFF, v16;
	v11 =	vadd.f32 v11, v58;
	v62 =	vadd.f32 v61, v13  }
0xa4: {  	v9 =	vadd.f32 v10, v9;
	v10 =	vadd.f32 v53, v63  }
0xa5: {  	v11 =	vadd.f32 v11, v60  }
0xa6: {  	v9 =	vadd.f32 v62, v9;
	v10 =	vadd.f32 v59, v10;
	_ =	sdelay $0x1  }
0xa7: {  	v4 =	vadd.f32 v9, v4;
	v9 =	vadd.f32 v11, v10;
	_ =	sdelay $0x1  }
0xa8: {  	v4 =	vadd.f32 v9, v4  }
.LBB2_6:
0xa9: {  	s0 =	sand.u32 $0xFFFFFFF8, s30  }
0xaa: {  	p0 =	sge.s32 s31, s0  }
.Ltmp7:
0xab: {  	_ = 	snop;
	(pc) =	sbr.rel @p0 .LBB2_9-.Ltmp7, $2  }
0xac: {  	_ =	sdelay $0x2  }
0xad: {  	s1 =	sshll.u32 s30, $0x6  }
0xae: {  	s2 =	sshra.s32 s1, $0x2  }
0xaf: {  	s2 =	sand.u32 $0xFFFFFF00, s2  }
0xb0: {  	s2 =	sor.u32 $0x40, s2  }
.LBB2_8:
0xb1: {  	v12 =	vld [tilespmem:s2+$0xFFFFFFC0]  }
0xb2: {  	v14 =	vld [tilespmem:s2+$0xFFFFFFD0]  }
0xb3: {  	v9 =	vadd.s32 s31, v7;
	s16 =	sadd.s32 $0x1, s31;
	v16 =	vld [tilespmem:s2+$0xFFFFFFE0]  }
0xb4: {  	v18 =	vld [tilespmem:s2+$0xFFFFFFF0];
	v9 =	vand.u32 $0xFFFFFFF8, v9;
	v10 =	vadd.s32 s16, v7  }
0xb5: {  	v20 =	vld [tilespmem:s2+$0x0];
	s16 =	sadd.s32 $0x2, s31;
	v9 =	vor.u32 v8, v9  }
0xb6: {  	v22 =	vld [tilespmem:s2+$0x10];
	v11 =	vadd.s32 s16, v7;
	s16 =	sadd.s32 $0x3, s31  }
0xb7: {  	v23 =	vld [tilespmem:s2+$0x20];
	v13 =	vadd.s32 s16, v7;
	s16 =	sadd.s32 $0x4, s31  }
0xb8: {  	v24 =	vld [tilespmem:s2+$0x30];
	v15 =	vadd.s32 s16, v7;
	s16 =	sadd.s32 $0x5, s31  }
0xb9: {  	v17 =	vadd.s32 s16, v7;
	s16 =	sadd.s32 $0x6, s31;
	v10 =	vld.idx.msk [tilespmem:v10+s20+$0x0], $0xffff  }
0xba: {  	v19 =	vadd.s32 s16, v7;
	s16 =	sadd.s32 $0x7, s31;
	v9 =	vld.idx.msk [tilespmem:v9+s20+$0x0], $0xffff  }
0xbb: {  	v11 =	vld.idx.msk [tilespmem:v11+s20+$0x0], $0xffff;
	v21 =	vadd.s32 s16, v7  }
0xbc: {  	v13 =	vld.idx.msk [tilespmem:v13+s20+$0x0], $0xffff  }
0xbd: {  	v15 =	vld.idx.msk [tilespmem:v15+s20+$0x0], $0xffff  }
0xbe: {  	v17 =	vld.idx.msk [tilespmem:v17+s20+$0x0], $0xffff  }
0xbf: {  	v19 =	vld.idx.msk [tilespmem:v19+s20+$0x0], $0xffff  }
0xc0: {  	v21 =	vld.idx.msk [tilespmem:v21+s20+$0x0], $0xffff  }
0xc1: {  	v10 =	vsub.f32 v14, v10  }
0xc2: {  	v9 =	vsub.f32 v12, v9;
	v11 =	vsub.f32 v16, v11  }
0xc3: {  	v55 =	vsub.f32 v18, v13;
	v10 =	vand.u32 $0x7FFFFFFF, v10;
	v56 =	vsub.f32 v20, v15  }
0xc4: {  	v9 =	vand.u32 $0x7FFFFFFF, v9;
	v11 =	vand.u32 $0x7FFFFFFF, v11;
	v57 =	vsub.f32 v22, v17  }
0xc5: {  	v12 =	vand.u32 $0x7FFFFFFF, v55;
	v58 =	vsub.f32 v23, v19;
	v59 =	vsub.f32 v24, v21  }
0xc6: {  	v9 =	vadd.f32 v10, v9;
	v10 =	vadd.f32 v12, v11;
	v11 =	vand.u32 $0x7FFFFFFF, v56  }
0xc7: {  	v60 =	vand.u32 $0x7FFFFFFF, v57;
	v61 =	vand.u32 $0x7FFFFFFF, v58;
	v62 =	vand.u32 $0x7FFFFFFF, v59  }
0xc8: {  	s31 =	sadd.s32 $0x8, s31;
	v11 =	vadd.f32 v60, v11;
	v63 =	vadd.f32 v62, v61  }
0xc9: {  	p0 =	slt.s32 s31, s0  }
.Ltmp8:
0xca: {  	v9 =	vadd.f32 v10, v9;
	v10 =	vadd.f32 v63, v11;
	(pc) =	sbr.rel @p0 .LBB2_8-.Ltmp8, $3  }
0xcb: {  	_ = 	snop  }
0xcc: {  	v9 =	vadd.f32 v10, v9;
	_ =	sdelay $0x1  }
0xcd: {  	s2 =	sadd.s32 $0x80, s2;
	v4 =	vadd.f32 v9, v4  }
.LBB2_9:
0xce: {  	p0 =	seq.s32 s0, s30  }
.Ltmp9:
0xcf: {  	_ = 	snop;
	(pc) =	sbr.rel @p0 .LBB2_18-.Ltmp9, $1  }
0xd0: {  	_ =	sdelay $0x3  }
0xd1: {  	s2 =	sadd.s32 $0x1, s0  }
0xd2: {  	p2 =	slt.s32 s2, s30  }
.Ltmp10:
0xd3: {  	_ = 	snop;
	(pc) =	sbr.rel @!p2 .LBB2_11-.Ltmp10, $3  }
0xd4: {  	_ =	sdelay $0x1  }
0xd5: {  	s1 =	sshra.s32 s1, $0x2  }
0xd6: {  	v8 =	vadd.s32 s0, v7;
	p0 =	por $0x0, $0x0;
	p1 =	por $0x0, $0x0;
	s1 =	sand.u32 $0xFFFFFF80, s1  }
0xd7: {  	s31 =	sadd.s32 $0x1, s2  }
0xd8: {  	p2 =	slt.s32 s31, s30  }
.Ltmp11:
0xd9: {  	_ = 	snop;
	(pc) =	sbr.rel @!p2 .LBB2_13-.Ltmp11, $3  }
0xda: {  	_ =	sdelay $0x1  }
0xdb: {  	v11 =	vld.idx.msk [tilespmem:v8+s20+$0x0], $0xffff  }
0xdc: {  	v8 =	vadd.s32 s2, v7;
	v9 =	vld [tilespmem:s1+$0x0];
	p0 =	por $0x1, $0x1  }
0xdd: {  	_ =	sdelay $0x1  }
0xde: {  	s2 =	sadd.s32 $0x1, s31  }
0xdf: {  	p2 =	slt.s32 s2, s30  }
.Ltmp12:
0xe0: {  	v10 =	vsub.f32 v9, v11;
	(pc) =	sbr.rel @!p2 .LBB2_15-.Ltmp12, $3  }
0xe1: {  	_ =	sdelay $0x1  }
0xe2: {  	s0 =	sadd.s32 $0x10, s1;
	v11 =	vld.idx.msk [tilespmem:v8+s20+$0x0], $0xffff  }
0xe3: {  	p1 =	por $0x1, $0x1;
	v8 =	vadd.s32 s31, v7;
	v9 =	vld [tilespmem:s0+$0x0];
	v12 =	vand.u32 $0x7FFFFFFF, v10;
	v10 =	vmov v4  }
.LBB2_16:
0xe4: {  	s16 =	smov.u32 s2;
	s2 =	sadd.s32 $0x1, s2  }
0xe5: {  	v10 =	vadd.f32 v12, v10;
	p2 =	slt.s32 s2, s30  }
.Ltmp13:
0xe6: {  	(pc) =	sbr.rel @p2 .LBB2_16-.Ltmp13, $4  }
0xe7: {  	_ = 	snop  }
0xe8: {  	s0 =	sadd.s32 $0x10, s0;
	v12 =	vsub.f32 v9, v11;
	v11 =	vld.idx.msk [tilespmem:v8+s20+$0x0], $0xffff  }
0xe9: {  	v8 =	vadd.s32 s16, v7;
	v9 =	vld [tilespmem:s0+$0x0]  }
0xea: {  	v12 =	vand.u32 $0x7FFFFFFF, v12  }
.LBB2_17:
0xeb: {  	_ =	sdelay $0x2  }
0xec: {  	s0 =	sadd.s32 @p0 $0x10, s0  }
0xed: {  	v7 =	vld.idx.msk [tilespmem:v8+s20+$0x0], $0xffff;
	s1 =	smov.u32 @p0 s0  }
0xee: {  	v8 =	vld [tilespmem:s1+$0x0]  }
0xef: {  	v9 =	vsub.f32 @p0 v9, v11  }
0xf0: {  	v10 =	vadd.f32 @p1 v12, v10  }
0xf1: {  	v9 =	vand.u32 @p0 $0x7FFFFFFF, v9  }
0xf2: {  	v10 =	vpsel p1, v10, v4;
	v9 =	vpsel p0, v9, v0  }
0xf3: {  	v9 =	vadd.f32 @p0 v9, v10;
	v7 =	vsub.f32 v8, v7;
	_ =	sdelay $0x1  }
0xf4: {  	v7 =	vand.u32 $0x7FFFFFFF, v7;
	v4 =	vpsel p0, v9, v4  }
0xf5: {  	v4 =	vadd.f32 v7, v4  }
.LBB2_18:
0xf6: {  	_ =	sdelay $0x3  }
0xf7: {  	v5 =	vld.idx.msk [tilespmem:v5+s14+$0x0], $0xffff;
	_ =	sdelay $0x4  }
0xf8: {  	v7 =	vxor.u32 $0x80000000, v5  }
0xf9: {  	(xrf0) =	vmax.scan.msk.u32 $0xffff, v7;
	_ =	sdelay $0x5  }
0xfa: {  	v7, _, _ =	vpop (xrf0)  }
0xfb: {  	(v2sf) =	vpush v7, $0xF;
	_ =	sdelay $0xb  }
0xfc: {  	v6 =	vcvt.s32.f32 v6;
	_ =	sdelay $0x1  }
0xfd: {  	v6 =	vmul.f32 $1.600000000e+01, v6  }
0xfe: {  	s0 =	spop (v2sf)  }
0xff: {  	(erf) = vrcp.f32 v6;
	s30 =	sxor.u32 $0x80000000, s0  }
0x100: {  	s0 =	smul.u32 s11, s30;
	_ =	sdelay $0x1  }
0x101: {  	s0 =	sshra.s32 s0, $0xA  }
0x102: {  	s0 =	sand.u32 $0xFFFFFFF8, s0  }
0x103: {  	s31 =	smin.u32 s29, $0x1D;
	s1 =	sadd.s32 $0x1A800, s0  }
0x104: {  	[tilespmem:s20], [sflag:$0x3] =	stream.indirect.gather [hbm4b:s7+s19], $0x400, s1, s19, $0xb8;
	[tilespmem:$0x1B030] =	vst v63  }
0x105: {  	s1 =	sshll.u32 s31, $0x5  }
0x106: {  	s1 =	sadd.s32 $0x40, s1  }
0x107: {  	v6 =	vpop (erf);
	p0 =	slt.s32 s30, $0x10;
	s2 =	sshll.u32 s1, $0xC;
	s1 =	sor.u32 s4, s1  }
0x108: {  	_ =	swait.ge [sflag:s24], $0x8000;
	s2 =	sand.u32 $0x7C0000, s2;
	s1 =	sshll.u32 s1, $0x1  }
0x109: {  	[sflag:s24] =	ssyncset.done $0x0;
	s1 =	sand.u32 $0x7E, s1;
	s2 =	sadd.s32 s5, s2  }
.Ltmp14:
0x10a: {  	[sflag:s24] =	ssyncadd.s32 $0xFFFF8000;
	s1 =	sadd.s32 s1, s2;
	(pc) =	sbr.rel @p0 .LBB2_22-.Ltmp14, $4  }
0x10b: {  	[tilespmem:s3], [sflag:$0x1] =	stream.strided.gather [hbm4b:s1+s17], $0x8000, s18, s17, $0x38;
	[tilespmem:$0x1B030] =	vst v63  }
0x10c: {  	v8 =	vmul.u32 s30, v1;
	s0 =	sshll.u32 s0, $0xA;
	_ =	swait.ge [sflag:s23], $0xA800  }
0x10d: {  	v7 =	vmov s0;
	[sflag:s23] =	ssyncset.done $0x0  }
0x10e: {  	v9 =	vimm.f32 $0.0e+00;
	s29 =	sand.u32 $0xFFFFFFF0, s30;
	v7 =	vsub.s32 v8, v7;
	v8 =	vand.u32 $0x7, v8;
	[sflag:s23] =	ssyncadd.s32 $0xFFFF5800  }
0x10f: {  	s1 =	simm.s32 $0x8080  }
0x110: {  	v17 =	vld [tilespmem:s1+$0x10]  }
0x111: {  	v18 =	vld [tilespmem:s1+$0x20]  }
0x112: {  	v20 =	vld [tilespmem:s1+$0x30]  }
0x113: {  	v30 =	vld [tilespmem:s1+$0x40]  }
0x114: {  	v33 =	vld [tilespmem:s1+$0x50]  }
0x115: {  	v36 =	vld [tilespmem:s1+$0x60]  }
0x116: {  	v37 =	vld [tilespmem:s1+$0x70]  }
0x117: {  	v10 =	vld [tilespmem:s1+$0xFFFFFF80]  }
0x118: {  	s2 =	simm.s32 $0x9;
	v11 =	vld [tilespmem:s1+$0xFFFFFF90]  }
0x119: {  	s16 =	simm.s32 $0xA;
	v19 =	vadd.s32 s2, v7;
	v12 =	vld [tilespmem:s1+$0xFFFFFFA0]  }
0x11a: {  	s31 =	simm.s32 $0xB;
	v21 =	vadd.s32 s16, v7;
	v13 =	vld [tilespmem:s1+$0xFFFFFFB0]  }
0x11b: {  	v14 =	vld [tilespmem:s1+$0xFFFFFFC0];
	v22 =	vadd.s32 s31, v7;
	s16 =	simm.s32 $0xC  }
0x11c: {  	v15 =	vld [tilespmem:s1+$0xFFFFFFD0];
	s31 =	simm.s32 $0xD;
	v23 =	vadd.s32 s16, v7  }
0x11d: {  	v16 =	vld [tilespmem:s1+$0xFFFFFFE0];
	v24 =	vadd.s32 s31, v7;
	s16 =	simm.s32 $0xE  }
0x11e: {  	s31 =	simm.s32 $0xF;
	v27 =	vld.idx.msk [tilespmem:v19+s20+$0x0], $0xffff;
	v19 =	vadd.s32 s16, v7  }
0x11f: {  	s16 =	simm.s32 $0x1;
	v28 =	vld.idx.msk [tilespmem:v21+s20+$0x0], $0xffff;
	v21 =	vadd.s32 s31, v7  }
0x120: {  	s31 =	simm.s32 $0x2;
	v29 =	vld.idx.msk [tilespmem:v22+s20+$0x0], $0xffff;
	v25 =	vadd.s32 s16, v7  }
0x121: {  	v22 =	vadd.s32 s31, v7;
	s16 =	simm.s32 $0x3;
	v31 =	vld.idx.msk [tilespmem:v23+s20+$0x0], $0xffff  }
0x122: {  	s31 =	simm.s32 $0x4;
	v35 =	vld.idx.msk [tilespmem:v24+s20+$0x0], $0xffff;
	v23 =	vadd.s32 s16, v7  }
0x123: {  	v24 =	vadd.s32 s31, v7;
	s16 =	simm.s32 $0x5;
	v38 =	vld.idx.msk [tilespmem:v19+s20+$0x0], $0xffff  }
0x124: {  	s0 =	simm.s32 $0x0;
	v26 =	vadd.s32 s16, v7;
	s16 =	simm.s32 $0x7;
	v39 =	vld.idx.msk [tilespmem:v21+s20+$0x0], $0xffff  }
0x125: {  	v34 =	vadd.s32 s16, v7;
	v21 =	vadd.s32 s0, v7;
	v19 =	vld.idx.msk [tilespmem:v25+s20+$0x0], $0xffff  }
0x126: {  	s31 =	simm.s32 $0x6;
	v32 =	vand.u32 $0xFFFFFFF8, v21;
	v21 =	vld.idx.msk [tilespmem:v22+s20+$0x0], $0xffff  }
0x127: {  	v25 =	vadd.s32 s31, v7;
	v23 =	vld.idx.msk [tilespmem:v23+s20+$0x0], $0xffff  }
0x128: {  	s31 =	simm.s32 $0x8;
	v32 =	vor.u32 v8, v32;
	v24 =	vld.idx.msk [tilespmem:v24+s20+$0x0], $0xffff  }
0x129: {  	p0 =	sgt.s32 s29, $0x10;
	v27 =	vsub.f32 v17, v27;
	v17 =	vadd.s32 s31, v7;
	v22 =	vld.idx.msk [tilespmem:v26+s20+$0x0], $0xffff  }
.Ltmp15:
0x12a: {  	v17 =	vand.u32 $0xFFFFFFF8, v17;
	v26 =	vld.idx.msk [tilespmem:v34+s20+$0x0], $0xffff;
	(pc) =	sbr.rel @!p0 .LBB2_21-.Ltmp15, $4  }
0x12b: {  	v31 =	vsub.f32 v30, v31;
	v30 =	vsub.f32 v33, v35;
	v34 =	vld [tilespmem:s1+$0xFFFFFFF0];
	v35 =	vor.u32 v8, v17  }
0x12c: {  	v25 =	vld.idx.msk [tilespmem:v25+s20+$0x0], $0xffff  }
0x12d: {  	v28 =	vsub.f32 v18, v28;
	v29 =	vsub.f32 v20, v29;
	v32 =	vld.idx.msk [tilespmem:v32+s20+$0x0], $0xffff  }
0x12e: {  	v9 =	vimm.f32 $0.0e+00;
	s0 =	simm.s32 $0x10;
	v20 =	vld [tilespmem:s1+$0x0];
	s1 =	simm.s32 $0x8180;
	v33 =	vsub.f32 v36, v38;
	v18 =	vsub.f32 v37, v39  }
.LBB2_20:
0x12f: {  	s2 =	sadd.s32 $0x9, s0;
	v17 =	vld [tilespmem:s1+$0x10];
	v11 =	vsub.f32 v11, v19;
	v12 =	vsub.f32 v12, v21  }
0x130: {  	v13 =	vsub.f32 v13, v23;
	v14 =	vsub.f32 v14, v24;
	v19 =	vadd.s32 s2, v7;
	s2 =	sadd.s32 $0xA, s0;
	v21 =	vld.idx.msk [tilespmem:v35+s20+$0x0], $0xffff  }
0x131: {  	v15 =	vsub.f32 v15, v22;
	v16 =	vsub.f32 v16, v25;
	v23 =	vadd.s32 s2, v7;
	v36 =	vld [tilespmem:s1+$0x20]  }
0x132: {  	v25 =	vand.u32 $0x7FFFFFFF, v27;
	v22 =	vsub.f32 v10, v32;
	v37 =	vld [tilespmem:s1+$0x30];
	v24 =	vsub.f32 v34, v26  }
0x133: {  	v27 =	vand.u32 $0x7FFFFFFF, v29;
	v26 =	vand.u32 $0x7FFFFFFF, v28;
	v28 =	vand.u32 $0x7FFFFFFF, v31;
	v38 =	vld [tilespmem:s1+$0x40]  }
0x134: {  	v29 =	vand.u32 $0x7FFFFFFF, v11;
	v11 =	vand.u32 $0x7FFFFFFF, v30;
	v30 =	vand.u32 $0x7FFFFFFF, v33;
	v39 =	vld [tilespmem:s1+$0x50]  }
0x135: {  	v13 =	vand.u32 $0x7FFFFFFF, v13;
	v31 =	vand.u32 $0x7FFFFFFF, v12;
	v12 =	vand.u32 $0x7FFFFFFF, v14;
	v33 =	vld [tilespmem:s1+$0x60]  }
0x136: {  	v14 =	vand.u32 $0x7FFFFFFF, v15;
	v15 =	vand.u32 $0x7FFFFFFF, v16;
	v16 =	vsub.f32 v20, v21;
	v40 =	vld [tilespmem:s1+$0x70]  }
0x137: {  	v20 =	vand.u32 $0x7FFFFFFF, v24;
	v21 =	vadd.f32 v27, v26;
	v24 =	vadd.f32 v11, v28;
	v10 =	vld [tilespmem:s1+$0xFFFFFF80]  }
0x138: {  	v22 =	vand.u32 $0x7FFFFFFF, v22;
	v14 =	vadd.f32 v14, v12;
	v15 =	vadd.f32 v20, v15;
	v11 =	vld [tilespmem:s1+$0xFFFFFF90]  }
0x139: {  	v18 =	vand.u32 $0x7FFFFFFF, v18;
	v20 =	vadd.f32 v29, v22;
	v22 =	vadd.f32 v13, v31;
	v12 =	vld [tilespmem:s1+$0xFFFFFFA0]  }
0x13a: {  	s2 =	sadd.s32 $0xB, s0;
	v26 =	vadd.f32 v15, v14;
	v15 =	vand.u32 $0x7FFFFFFF, v16;
	v16 =	vadd.f32 v18, v30;
	v13 =	vld [tilespmem:s1+$0xFFFFFFB0]  }
0x13b: {  	v18 =	vadd.s32 s2, v7;
	s2 =	sadd.s32 $0xC, s0;
	v20 =	vadd.f32 v22, v20;
	v22 =	vadd.f32 v25, v15;
	v14 =	vld [tilespmem:s1+$0xFFFFFFC0]  }
0x13c: {  	v25 =	vadd.s32 s2, v7;
	s2 =	sadd.s32 $0xD, s0;
	v24 =	vadd.f32 v16, v24;
	v15 =	vld [tilespmem:s1+$0xFFFFFFD0]  }
0x13d: {  	v27 =	vadd.s32 s2, v7;
	s2 =	sadd.s32 $0xE, s0;
	v20 =	vadd.f32 v26, v20;
	v21 =	vadd.f32 v21, v22;
	v16 =	vld [tilespmem:s1+$0xFFFFFFE0]  }
0x13e: {  	v28 =	vld.idx.msk [tilespmem:v19+s20+$0x0], $0xffff;
	v19 =	vadd.s32 s2, v7;
	s2 =	sadd.s32 $0xF, s0  }
0x13f: {  	s16 =	sadd.s32 $0x1, s0;
	v9 =	vadd.f32 v20, v9;
	v20 =	vadd.f32 v24, v21;
	v29 =	vld.idx.msk [tilespmem:v23+s20+$0x0], $0xffff;
	v22 =	vadd.s32 s2, v7  }
0x140: {  	v21 =	vadd.s32 s16, v7;
	s2 =	sadd.s32 $0x2, s0;
	v18 =	vld.idx.msk [tilespmem:v18+s20+$0x0], $0xffff  }
0x141: {  	v9 =	vadd.f32 v20, v9;
	v23 =	vadd.s32 s2, v7;
	s2 =	sadd.s32 $0x3, s0;
	v30 =	vld.idx.msk [tilespmem:v25+s20+$0x0], $0xffff  }
0x142: {  	v20 =	vadd.s32 s2, v7;
	s2 =	sadd.s32 $0x4, s0;
	v41 =	vld.idx.msk [tilespmem:v27+s20+$0x0], $0xffff  }
0x143: {  	v24 =	vadd.s32 s2, v7;
	s2 =	sadd.s32 $0x5, s0;
	v42 =	vld.idx.msk [tilespmem:v19+s20+$0x0], $0xffff  }
0x144: {  	v25 =	vadd.s32 s2, v7;
	s2 =	sadd.s32 $0x6, s0;
	v43 =	vld.idx.msk [tilespmem:v22+s20+$0x0], $0xffff  }
0x145: {  	v22 =	vadd.s32 s0, v7;
	v26 =	vadd.s32 s2, v7;
	s2 =	sadd.s32 $0x7, s0;
	v19 =	vld.idx.msk [tilespmem:v21+s20+$0x0], $0xffff  }
0x146: {  	v22 =	vand.u32 $0xFFFFFFF8, v22;
	v27 =	vadd.s32 s2, v7;
	v21 =	vld.idx.msk [tilespmem:v23+s20+$0x0], $0xffff  }
0x147: {  	v31 =	vor.u32 v8, v22;
	v23 =	vld.idx.msk [tilespmem:v20+s20+$0x0], $0xffff  }
0x148: {  	s2 =	sadd.s32 $0x8, s0;
	s0 =	sadd.s32 $0x10, s0;
	v24 =	vld.idx.msk [tilespmem:v24+s20+$0x0], $0xffff  }
0x149: {  	p0 =	slt.s32 s0, s29;
	v20 =	vadd.s32 s2, v7;
	v22 =	vld.idx.msk [tilespmem:v25+s20+$0x0], $0xffff  }
.Ltmp16:
0x14a: {  	v20 =	vand.u32 $0xFFFFFFF8, v20;
	v25 =	vld.idx.msk [tilespmem:v26+s20+$0x0], $0xffff;
	(pc) =	sbr.rel @p0 .LBB2_20-.Ltmp16, $4  }
0x14b: {  	v35 =	vor.u32 v8, v20;
	v26 =	vld.idx.msk [tilespmem:v27+s20+$0x0], $0xffff;
	v27 =	vsub.f32 v17, v28  }
0x14c: {  	v28 =	vsub.f32 v36, v29;
	v29 =	vsub.f32 v37, v18;
	v32 =	vld.idx.msk [tilespmem:v31+s20+$0x0], $0xffff  }
0x14d: {  	v31 =	vsub.f32 v38, v30;
	v30 =	vsub.f32 v39, v41;
	v34 =	vld [tilespmem:s1+$0xFFFFFFF0]  }
0x14e: {  	v33 =	vsub.f32 v33, v42;
	v18 =	vsub.f32 v40, v43;
	v20 =	vld [tilespmem:s1+$0x0];
	s1 =	sadd.s32 $0x100, s1  }
.LBB2_21:
0x14f: {  	v11 =	vsub.f32 v11, v19  }
0x150: {  	v12 =	vsub.f32 v12, v21;
	v13 =	vsub.f32 v13, v23  }
0x151: {  	v14 =	vsub.f32 v14, v24;
	v15 =	vsub.f32 v15, v22;
	v52 =	vand.u32 $0x7FFFFFFF, v27  }
0x152: {  	v53 =	vand.u32 $0x7FFFFFFF, v28;
	v54 =	vand.u32 $0x7FFFFFFF, v29;
	v55 =	vand.u32 $0x7FFFFFFF, v31  }
0x153: {  	v17 =	vld.idx.msk [tilespmem:v35+s20+$0x0], $0xffff;
	v56 =	vand.u32 $0x7FFFFFFF, v30;
	v57 =	vand.u32 $0x7FFFFFFF, v33;
	v58 =	vadd.f32 v54, v53  }
0x154: {  	v59 =	vadd.f32 v56, v55;
	v16 =	vsub.f32 v16, v25;
	v11 =	vand.u32 $0x7FFFFFFF, v11  }
0x155: {  	v12 =	vand.u32 $0x7FFFFFFF, v12;
	v13 =	vand.u32 $0x7FFFFFFF, v13;
	v51 =	vsub.f32 v34, v26  }
0x156: {  	v14 =	vand.u32 $0x7FFFFFFF, v14;
	v15 =	vand.u32 $0x7FFFFFFF, v15;
	v10 =	vsub.f32 v10, v32  }
0x157: {  	v14 =	vadd.f32 v15, v14;
	v16 =	vand.u32 $0x7FFFFFFF, v16;
	v19 =	vand.u32 $0x7FFFFFFF, v51  }
0x158: {  	v17 =	vsub.f32 v20, v17;
	v10 =	vand.u32 $0x7FFFFFFF, v10;
	v60 =	vadd.f32 v19, v16  }
0x159: {  	v61 =	vand.u32 $0x7FFFFFFF, v18;
	v10 =	vadd.f32 v11, v10;
	v11 =	vadd.f32 v13, v12  }
0x15a: {  	v12 =	vadd.f32 v61, v57;
	v63 =	vand.u32 $0x7FFFFFFF, v17;
	v62 =	vadd.f32 v60, v14  }
0x15b: {  	v10 =	vadd.f32 v11, v10;
	v11 =	vadd.f32 v52, v63  }
0x15c: {  	v12 =	vadd.f32 v12, v59  }
0x15d: {  	v10 =	vadd.f32 v62, v10;
	v11 =	vadd.f32 v58, v11;
	_ =	sdelay $0x1  }
0x15e: {  	v9 =	vadd.f32 v10, v9;
	v10 =	vadd.f32 v12, v11;
	_ =	sdelay $0x1  }
0x15f: {  	v9 =	vadd.f32 v10, v9  }
.LBB2_22:
0x160: {  	s0 =	sand.u32 $0xFFFFFFF8, s30  }
0x161: {  	p0 =	sge.s32 s29, s0  }
.Ltmp17:
0x162: {  	_ = 	snop;
	(pc) =	sbr.rel @p0 .LBB2_25-.Ltmp17, $2  }
0x163: {  	_ =	sdelay $0x2  }
0x164: {  	s1 =	sshll.u32 s30, $0x6  }
0x165: {  	s2 =	sshra.s32 s1, $0x2  }
0x166: {  	s2 =	sand.u32 $0xFFFFFF00, s2  }
0x167: {  	s2 =	sadd.s32 $0x8040, s2  }
.LBB2_24:
0x168: {  	v13 =	vld [tilespmem:s2+$0xFFFFFFC0]  }
0x169: {  	v15 =	vld [tilespmem:s2+$0xFFFFFFD0]  }
0x16a: {  	s16 =	sadd.s32 $0x1, s29;
	v17 =	vld [tilespmem:s2+$0xFFFFFFE0]  }
0x16b: {  	v10 =	vadd.s32 s29, v7;
	s31 =	sadd.s32 $0x2, s29;
	v19 =	vld [tilespmem:s2+$0xFFFFFFF0];
	v11 =	vadd.s32 s16, v7  }
0x16c: {  	v21 =	vld [tilespmem:s2+$0x0];
	v10 =	vand.u32 $0xFFFFFFF8, v10;
	v12 =	vadd.s32 s31, v7  }
0x16d: {  	v23 =	vld [tilespmem:s2+$0x10];
	s31 =	sadd.s32 $0x3, s29;
	v10 =	vor.u32 v8, v10  }
0x16e: {  	v24 =	vld [tilespmem:s2+$0x20];
	v14 =	vadd.s32 s31, v7;
	s31 =	sadd.s32 $0x4, s29  }
0x16f: {  	v25 =	vld [tilespmem:s2+$0x30];
	v16 =	vadd.s32 s31, v7;
	s31 =	sadd.s32 $0x5, s29  }
0x170: {  	v18 =	vadd.s32 s31, v7;
	s31 =	sadd.s32 $0x6, s29;
	v11 =	vld.idx.msk [tilespmem:v11+s20+$0x0], $0xffff  }
0x171: {  	v20 =	vadd.s32 s31, v7;
	s31 =	sadd.s32 $0x7, s29;
	v12 =	vld.idx.msk [tilespmem:v12+s20+$0x0], $0xffff  }
0x172: {  	v22 =	vadd.s32 s31, v7;
	v10 =	vld.idx.msk [tilespmem:v10+s20+$0x0], $0xffff  }
0x173: {  	v14 =	vld.idx.msk [tilespmem:v14+s20+$0x0], $0xffff  }
0x174: {  	v16 =	vld.idx.msk [tilespmem:v16+s20+$0x0], $0xffff  }
0x175: {  	v18 =	vld.idx.msk [tilespmem:v18+s20+$0x0], $0xffff  }
0x176: {  	v20 =	vld.idx.msk [tilespmem:v20+s20+$0x0], $0xffff  }
0x177: {  	v22 =	vld.idx.msk [tilespmem:v22+s20+$0x0], $0xffff  }
0x178: {  	v11 =	vsub.f32 v15, v11  }
0x179: {  	v12 =	vsub.f32 v17, v12;
	v10 =	vsub.f32 v13, v10  }
0x17a: {  	v54 =	vsub.f32 v19, v14;
	v55 =	vsub.f32 v21, v16;
	v11 =	vand.u32 $0x7FFFFFFF, v11  }
0x17b: {  	v12 =	vand.u32 $0x7FFFFFFF, v12;
	v56 =	vsub.f32 v23, v18;
	v10 =	vand.u32 $0x7FFFFFFF, v10  }
0x17c: {  	v13 =	vand.u32 $0x7FFFFFFF, v54;
	v57 =	vsub.f32 v24, v20;
	v58 =	vsub.f32 v25, v22  }
0x17d: {  	v10 =	vadd.f32 v11, v10;
	v11 =	vadd.f32 v13, v12;
	v59 =	vand.u32 $0x7FFFFFFF, v55  }
0x17e: {  	v60 =	vand.u32 $0x7FFFFFFF, v56;
	v61 =	vand.u32 $0x7FFFFFFF, v57;
	v62 =	vand.u32 $0x7FFFFFFF, v58  }
0x17f: {  	s29 =	sadd.s32 $0x8, s29;
	v12 =	vadd.f32 v60, v59;
	v63 =	vadd.f32 v62, v61  }
0x180: {  	p0 =	slt.s32 s29, s0  }
.Ltmp18:
0x181: {  	v10 =	vadd.f32 v11, v10;
	v11 =	vadd.f32 v63, v12;
	(pc) =	sbr.rel @p0 .LBB2_24-.Ltmp18, $3  }
0x182: {  	_ = 	snop  }
0x183: {  	v10 =	vadd.f32 v11, v10;
	_ =	sdelay $0x1  }
0x184: {  	s2 =	sadd.s32 $0x80, s2;
	v9 =	vadd.f32 v10, v9  }
.LBB2_25:
0x185: {  	p0 =	seq.s32 s0, s30  }
.Ltmp19:
0x186: {  	_ = 	snop;
	(pc) =	sbr.rel @p0 .LBB2_34-.Ltmp19, $1  }
0x187: {  	_ =	sdelay $0x3  }
0x188: {  	s2 =	sadd.s32 $0x1, s0  }
0x189: {  	p2 =	slt.s32 s2, s30  }
.Ltmp20:
0x18a: {  	_ = 	snop;
	(pc) =	sbr.rel @!p2 .LBB2_27-.Ltmp20, $4  }
0x18b: {  	_ = 	snop  }
0x18c: {  	s1 =	sshra.s32 s1, $0x2  }
0x18d: {  	s1 =	sand.u32 $0xFFFFFF80, s1  }
0x18e: {  	v8 =	vadd.s32 s0, v7;
	p0 =	por $0x0, $0x0;
	p1 =	por $0x0, $0x0;
	s1 =	sadd.s32 $0x8000, s1  }
0x18f: {  	s29 =	sadd.s32 $0x1, s2  }
0x190: {  	p2 =	slt.s32 s29, s30  }
.Ltmp21:
0x191: {  	_ = 	snop;
	(pc) =	sbr.rel @!p2 .LBB2_29-.Ltmp21, $3  }
0x192: {  	_ =	sdelay $0x1  }
0x193: {  	v12 =	vld.idx.msk [tilespmem:v8+s20+$0x0], $0xffff  }
0x194: {  	v8 =	vadd.s32 s2, v7;
	v10 =	vld [tilespmem:s1+$0x0];
	p0 =	por $0x1, $0x1  }
0x195: {  	_ =	sdelay $0x1  }
0x196: {  	s2 =	sadd.s32 $0x1, s29  }
0x197: {  	p2 =	slt.s32 s2, s30  }
.Ltmp22:
0x198: {  	v11 =	vsub.f32 v10, v12;
	(pc) =	sbr.rel @!p2 .LBB2_31-.Ltmp22, $3  }
0x199: {  	_ =	sdelay $0x1  }
0x19a: {  	s0 =	sadd.s32 $0x10, s1;
	v12 =	vld.idx.msk [tilespmem:v8+s20+$0x0], $0xffff  }
0x19b: {  	p1 =	por $0x1, $0x1;
	v8 =	vadd.s32 s29, v7;
	v10 =	vld [tilespmem:s0+$0x0];
	v13 =	vand.u32 $0x7FFFFFFF, v11;
	v11 =	vmov v9  }
.LBB2_32:
0x19c: {  	s16 =	smov.u32 s2;
	s2 =	sadd.s32 $0x1, s2  }
0x19d: {  	v11 =	vadd.f32 v13, v11;
	p2 =	slt.s32 s2, s30  }
.Ltmp23:
0x19e: {  	(pc) =	sbr.rel @p2 .LBB2_32-.Ltmp23, $4  }
0x19f: {  	_ = 	snop  }
0x1a0: {  	v13 =	vsub.f32 v10, v12;
	s0 =	sadd.s32 $0x10, s0;
	v12 =	vld.idx.msk [tilespmem:v8+s20+$0x0], $0xffff  }
0x1a1: {  	v8 =	vadd.s32 s16, v7;
	v10 =	vld [tilespmem:s0+$0x0]  }
0x1a2: {  	v13 =	vand.u32 $0x7FFFFFFF, v13  }
.Ltmp24:
0x1a3: {  	_ = 	snop;
	(pc) =	sbr.rel .LBB2_33-.Ltmp24, $1  }
0x1a4: {  	_ =	sdelay $0x3  }
.LBB2_11:
.Ltmp25:
0x1a5: {  	(pc) =	sbr.rel .LBB2_17-.Ltmp25, $2  }
0x1a6: {  	_ =	sdelay $0x2  }
0x1a7: {  	v10 =	vmov v4;
	s0 =	smov.u32 s1  }
.LBB2_13:
.Ltmp26:
0x1a8: {  	(pc) =	sbr.rel .LBB2_17-.Ltmp26, $2  }
0x1a9: {  	_ =	sdelay $0x2  }
0x1aa: {  	v10 =	vmov v4;
	s0 =	smov.u32 s1  }
.LBB2_29:
.Ltmp27:
0x1ab: {  	(pc) =	sbr.rel .LBB2_33-.Ltmp27, $2  }
0x1ac: {  	_ =	sdelay $0x2  }
0x1ad: {  	v11 =	vmov v9;
	s0 =	smov.u32 s1  }
.LBB2_15:
.Ltmp28:
0x1ae: {  	(pc) =	sbr.rel .LBB2_17-.Ltmp28, $2  }
0x1af: {  	_ =	sdelay $0x2  }
0x1b0: {  	v10 =	vmov v4  }
.LBB2_31:
.Ltmp29:
0x1b1: {  	(pc) =	sbr.rel .LBB2_33-.Ltmp29, $2  }
0x1b2: {  	_ =	sdelay $0x2  }
0x1b3: {  	v11 =	vmov v9  }
.LBB2_36:
0x1b4: {  	_ =	sfence.sel $0x180000  }
0x1b5: {  	[bflag:$0x0] =	sbarrier.arrive $0xFFFF  }
0x1b6: {  	_ =	strace $0x9000004A  }
0x1b7: {  	s0 =	stileid.u32;
	[bflag:$0x2] =	sbarrier.arrive $0xFFFF  }
0x1b8: {  	p0 =	sne.s32 s0, $0x0;
	s0 =	rddreg [dreg:$0x2]  }
0x1b9: {  	s0 =	sadd.s32 @!p0 $0x100000, s0  }
0x1ba: {  	[sflag:s0] =	ssyncadd.tile.s32 @!p0 $0x1;
	_ =	shalt  }
.Lfunc_end2:
_tile_overlayer_lowered:
.L_overlay_start_2:
0x1bb: {  	(tag) =	ssettag $0x2  }
0x1bc: {  	s0 =	rddreg [dreg:$0x0];
	s2 =	stileid.u32  }
0x1bd: {  	s1 =	rddreg [dreg:$0x1];
	p0 =	sne.s32 s2, $0x0  }
0x1be: {  	s3 =	rddreg [dreg:$0x2];
	[bflag:$0x3] =	sbarrier.arrive $0xFFFF;
	s2 =	simm.s32 @!p0 $0x1C04  }
0x1bf: {  	[timem:s3], [sflag:s2] =	dma.local @!p0 [hbm:s0], s1  }
0x1c0: {  	s0 =	simm.s32 @!p0 $0x4  }
0x1c1: {  	_ =	swait.ge @!p0 [sflag:s0], s1  }
0x1c2: {  	s1 =	ssub.s32 @!p0 $0x0, s1;
	[sflag:s0] =	ssyncset.done @!p0 $0x0  }
0x1c3: {  	[sflag:s0] =	ssyncadd.s32 @!p0 s1  }
0x1c4: {  	[bflag:$0x3] =	sbarrier.arrive $0xFFFF  }
0x1c5: {  	_ =	shalt  }

// kernel: sparse-core-data-format-call.cloned.1.call-start
scs
called_computation_lowered:
.L_overlay_start_0:
0x0: {  	s2 =	sld [smem:$0x3FD9]  }
0x1: {  	s3 =	sld [smem:$0x3FFE];
	_ =	sdelay $0x1  }
0x2: {  	s1 =	srdreg.scid  }
0x3: {  	s0 =	sand.u32 $0x1, s1  }
0x4: {  	s18 =	sshll.u32 s0, $0xA;
	s2 =	sadd.s32 s3, s2  }
0x5: {  	s2 =	sadd.s32 s2, s18  }
0x6: {  	[smem:$0x3FC4] =	sst s2  }
0x7: {  	_ = 	snop  }
0x8: {  	s2 =	sld [smem:$0x3FC9];
	(tm) =	ssettm $0x1  }
0x9: {  	s19 =	sld [smem:$0x3FFB];
	_ =	sdelay $0x3  }
0xa: {  	_ =	strace s19  }
0xb: {  	s3 =	sld [smem:$0x3FFC];
	_ =	sdelay $0x3  }
0xc: {  	_ =	strace s3  }
0xd: {  	s3 =	sld [smem:$0x3FFD];
	_ =	sdelay $0x3  }
0xe: {  	_ =	strace s3  }
0xf: {  	_ =	strace $0x8FFFFFFF  }
0x10: {  	s20 =	sld [smem:$0x3FDB];
	_ =	sdelay $0x1  }
0x11: {  	s4 =	simm.s32 $_scs_section_size  }
0x12: {  	s5 =	simm.s32 $_size__tile_overlayer_lowered;
	s6 =	simm.s32 $_tile_overlayer_lowered  }
0x13: {  	s23 =	simm.s32 $0x1BFF;
	s22 =	sshll.u32 s6, $0x1;
	s3 =	sadd.s32 s4, s20  }
0x14: {  	s7 =	simm.s32 $0x0;
	s21 =	sshll.u32 s5, $0x1;
	s5 =	sadd.s32 s22, s3  }
0x15: {  	[timem:s7], [sflag:s23] =	dma.local [hbm:s5], s21  }
0x16: {  	_ =	swait.ge [sflag:s23], s21  }
0x17: {  	s4 =	ssub.s32 $0x0, s21;
	[sflag:s23] =	ssyncset.done $0x0  }
0x18: {  	[sflag:s23] =	ssyncadd.s32 s4;
	_ =	sdelay $0x1  }
0x19: {  	s24 =	simm.s32 $0x1B8B  }
0x1a: {  	_ =	swait.ge [sflag:s24], $0x1  }
0x1b: {  	[sflag:s24] =	ssyncset.done $0x0  }
0x1c: {  	s26 =	simm.s32 $0x1B8E;
	s25 =	sld [smem:$0x3FFE];
	[sflag:s24] =	ssyncadd.s32 $0xFFFFFFFF  }
0x1d: {  	s27 =	simm.s32 $execute0_lowered;
	[smem:$0x3FD2] =	sst s26  }
0x1e: {  	s5 =	sshll.u32 s27, $0x1;
	_ =	strace $0x80000046;
	[dreg:$0x1] =	wrdreg $0xFFFFFFFF  }
0x1f: {  	s28 =	simm.s32 $_size_execute0_lowered;
	s3 =	sadd.s32 s3, s5;
	[dreg:$0x0] =	wrdreg $0x0  }
0x20: {  	s5 =	sshll.u32 s28, $0x1;
	[dreg:$0x2] =	wrdreg s3  }
0x21: {  	[dreg:$0x3] =	wrdreg s5  }
0x22: {  	[dreg:$0x4] =	wrdreg $0xC0  }
0x23: {  	_ =	task [dreg:s7], $0x5FFFF  }
0x24: {  	[dreg:$0x1] =	wrdreg $0xFFFFFFFF  }
0x25: {  	[dreg:$0x0] =	wrdreg $0x60  }
0x26: {  	[dreg:$0x2] =	wrdreg s2  }
0x27: {  	[dreg:$0x3] =	wrdreg s25  }
0x28: {  	[dreg:$0x4] =	wrdreg $0x9  }
0x29: {  	_ =	task.clear_ibuf [dreg:s7], $0x5FFFF;
	_ =	strace $0x90000046  }
0x2a: {  	s29 =	simm.s32 $0x9;
	_ =	strace $0x80000048  }
0x2b: {  	_ =	swait.ge [sflag:s29], $0x1  }
0x2c: {  	[sflag:s29] =	ssyncadd.s32 $0xFFFFFFFF  }
0x2d: {  	_ =	strace $0x90000048  }
0x2e: {  	_ =	sfence  }
0x2f: {  	s30 =	sld [smem:$0x0];
	_ =	sdelay $0x2  }
0x30: {  	s31 =	sshll.u32 s1, $0xD;
	s1 =	sshrl.u32 s1, $0x2  }
0x31: {  	s3 =	sand.u32 $0x4000, s31;
	s1 =	sadd.s32 s1, s30  }
0x32: {  	s0 =	sor.u32 s3, s0;
	s1 =	sshll.u32 s1, $0x11  }
0x33: {  	s0 =	sor.u32 s1, s0  }
0x34: {  	s0 =	sadd.s32 $0x8F2B, s0  }
0x35: {  	[sflag:s0] =	ssyncadd.remote.s32 $0x1  }
0x36: {  	_ =	sfence.sel $0xFFFF  }
0x37: {  	[dreg:$0x0] =	wrdreg $0xFFFFFFFF;
	(pc) =	sbr.abs _section_cstart, $3  }
0x38: {  	[dreg:$0x1] =	wrdreg $0xFFFFFFFF  }
0x39: {  	_ =	task.clear_ibuf [dreg:s7], $0x2FFFF;
	_ =	strace $0x9FFFFFFF  }
0x3a: {  	(tm) =	ssettm $0x7FFFFFFF  }
0x3b: {  	_ =	shalt  }
tec
execute0_lowered:
.L_overlay_start_1:
0x0: {  	(tag) =	ssettag $0x1  }
0x1: {  	s0 =	srdreg.scid  }
0x2: {  	s1 =	sshll.u32 s0, $0x4  }
0x3: {  	s2 =	rddreg [dreg:$0x0];
	s0 =	stileid.u32;
	s1 =	sand.u32 $0x10, s1  }
0x4: {  	s4 =	rddreg [dreg:$0x1];
	s7 =	simm.s32 $0x1;
	s1 =	sor.u32 s0, s1  }
0x5: {  	s8 =	simm.s32 $0x2;
	s9 =	simm.s32 $0x0;
	s3 =	sshll.u32 s1, $0x1  }
0x6: {  	s12 =	simm.s32 $0x0;
	s11 =	simm.s32 $0x0;
	s6 =	ssub.s32 $0x1000, s3  }
.Ltmp0:
0x7: {  	s4 =	sadd.s32 $0x800, s4;
	s5 =	sand.u32 $0x3E, s6;
	(pc) =	sbr.rel .LBB1_1-.Ltmp0, $4  }
0x8: {  	s1 =	rddreg [dreg:$0x2];
	_ =	strace $0x80000047;
	p0 =	sne.s32 s5, $0x0  }
0x9: {  	s6 =	sshrl.u32 s6, $0x6;
	s5 =	simm.s32 $0x1;
	s7 =	simm.s32 @!p0 $0x0  }
0xa: {  	s10 =	smov.u32 s3;
	[sflag:s5] =	ssyncpa.u1 $0x0;
	s6 =	sadd.s32 s7, s6  }
0xb: {  	[sflag:s8] =	ssyncpa.u1 $0x0;
	s8 =	simm.s32 $0x0;
	s7 =	sadd.s32 $0x1, s6  }
.LBB1_9:
0xc: {  	s14 =	sadd.s32 $0x40, s10  }
0xd: {  	p1 =	sgt.s32 s14, $0xFFF  }
0xe: {  	s14 =	smov.u32 @p1 s3;
	p1 =	sne.s32 s11, s7  }
.Ltmp1:
0xf: {  	p0 =	slt.u32 s11, $0x2;
	(pc) =	sbr.rel @!p1 .LBB1_10-.Ltmp1, $4  }
0x10: {  	s13 =	simm.s32 @!p0 $0x2  }
0x11: {  	s15 =	sadd.s32 $0x1, s11;
	_ =	swait.ge @!p0 [sflag:s13], $0x4000  }
0x12: {  	s12 =	smov.u32 s10;
	s9 =	sadd.s32 $0x4000, s9;
	[sflag:s13] =	ssyncset.done @!p0 $0x0  }
0x13: {  	s11 =	smov.u32 s15;
	s10 =	smov.u32 s14;
	[sflag:s13] =	ssyncadd.s32 @!p0 $0xFFFFC000  }
.LBB1_1:
0x14: {  	p0 =	sge.u32 s11, s6  }
0x15: {  	s13 =	sxor.u32 @!p0 $0xFFFFFFFF, s11  }
0x16: {  	s31 =	sadd.s32 $0xFFFFFFFF, s11;
	s14 =	sshll.u32 @!p0 s10, $0xA;
	s13 =	sshll.u32 @!p0 s13, $0xE  }
0x17: {  	s15 =	simm.s32 @!p0 $0x0;
	s14 =	sadd.s32 @!p0 s2, s14;
	s13 =	sand.u32 @!p0 $0x4000, s13  }
0x18: {  	[tilespmem:s13], [sflag:$0x1] =	stream.linear.gather @!p0 [hbm4b:s14+s15], $0x4000, $0x38;
	[tilespmem:$0x10000] =	vst v63  }
0x19: {  	p0 =	sge.u32 s31, s6  }
.Ltmp2:
0x1a: {  	_ = 	snop;
	(pc) =	sbr.rel @p0 .LBB1_9-.Ltmp2, $1  }
0x1b: {  	_ =	sdelay $0x3  }
0x1c: {  	s13 =	sshll.u32 s9, $0x2  }
0x1d: {  	_ =	swait.ge [sflag:s5], $0x4000;
	s14 =	sshll.u32 s11, $0xE;
	s16 =	simm.s32 $0x0  }
0x1e: {  	p1 =	por $0x1, $0x1;
	s13 =	sand.u32 $0x10000, s13;
	[sflag:s5] =	ssyncset.done $0x0  }
0x1f: {  	s14 =	sand.u32 $0x4000, s14;
	s15 =	sshrl.u32 s13, $0x2;
	[sflag:s5] =	ssyncadd.s32 $0xFFFFC000  }
0x20: {  	s13 =	sor.u32 $0x8000, s14;
	s14 =	sadd.s32 $0x8040, s15;
	s15 =	sadd.s32 $0x40, s15  }
.LBB1_3:
0x21: {  	s16 =	sshll.u32 s16, $0x2  }
0x22: {  	p0 =	por p1, p1;
	s17 =	sshra.s32 s16, $0x2  }
0x23: {  	s18 =	simm.s32 $0x0;
	s16 =	sadd.s32 s17, s14;
	s17 =	sadd.s32 s17, s15  }
.LBB1_4:
0x24: {  	v0 =	vmov s17;
	_ =	sdelay $0x3  }
0x25: {  	s20 =	simm.s32 $0x0  }
0x26: {  	v6 =	vld.idx.msk [tilespmem:v0+s20+$0x30 ss:$0x1], $0xffff  }
0x27: {  	v7 =	vld.idx.msk [tilespmem:v0+s20+$0xFFFFFFC0 ss:$0x1], $0xffff  }
0x28: {  	v5 =	vld.idx.msk [tilespmem:v0+s20+$0xFFFFFFD0 ss:$0x1], $0xffff  }
0x29: {  	v4 =	vld.idx.msk [tilespmem:v0+s20+$0xFFFFFFE0 ss:$0x1], $0xffff  }
0x2a: {  	v3 =	vld.idx.msk [tilespmem:v0+s20+$0xFFFFFFF0 ss:$0x1], $0xffff  }
0x2b: {  	v1 =	vld.idx.msk [tilespmem:v0+s20+$0x0 ss:$0x1], $0xffff  }
0x2c: {  	v2 =	vld.idx.msk [tilespmem:v0+s20+$0x10 ss:$0x1], $0xffff;
	[tilespmem:s16+$0x30] =	vst v6  }
0x2d: {  	s19 =	simm.s32 $0x80;
	s21 =	simm.s32 $0x400;
	[tilespmem:s16+$0xFFFFFFC0] =	vst v7;
	v6 =	vld.idx.msk [tilespmem:v0+s20+$0x20 ss:$0x1], $0xffff;
	s20 =	smov.u32 s16  }
.LBB1_5:
0x2e: {  	p1 =	sne.s32 s21, $0xE00;
	v7 =	vld.idx.msk [tilespmem:v0+s19+$0x30 ss:$0x1], $0xffff;
	[tilespmem:s20+$0xFFFFFFD0] =	vst v5  }
0x2f: {  	v8 =	vld.idx.msk [tilespmem:v0+s19+$0xFFFFFFC0 ss:$0x1], $0xffff;
	[tilespmem:s20+$0xFFFFFFE0] =	vst v4  }
0x30: {  	v5 =	vld.idx.msk [tilespmem:v0+s19+$0xFFFFFFD0 ss:$0x1], $0xffff;
	[tilespmem:s20+$0xFFFFFFF0] =	vst v3  }
.Ltmp3:
0x31: {  	v4 =	vld.idx.msk [tilespmem:v0+s19+$0xFFFFFFE0 ss:$0x1], $0xffff;
	[tilespmem:s20+$0x0] =	vst v1;
	(pc) =	sbr.rel @p1 .LBB1_5-.Ltmp3, $4  }
0x32: {  	v3 =	vld.idx.msk [tilespmem:v0+s19+$0xFFFFFFF0 ss:$0x1], $0xffff;
	[tilespmem:s20+$0x10] =	vst v2  }
0x33: {  	v1 =	vld.idx.msk [tilespmem:v0+s19+$0x0 ss:$0x1], $0xffff;
	[tilespmem:s20+$0x20] =	vst v6;
	s20 =	sadd.s32 $0x400, s20  }
0x34: {  	v2 =	vld.idx.msk [tilespmem:v0+s19+$0x10 ss:$0x1], $0xffff;
	[tilespmem:s20+$0x30] =	vst v7  }
0x35: {  	[tilespmem:s20+$0xFFFFFFC0] =	vst v8;
	v6 =	vld.idx.msk [tilespmem:v0+s19+$0x20 ss:$0x1], $0xffff;
	s19 =	sshra.s32 s21, $0x2;
	s21 =	sadd.s32 $0x200, s21  }
0x36: {  	_ =	sdelay $0x2  }
0x37: {  	[tilespmem:s20+$0xFFFFFFD0] =	vst v5  }
0x38: {  	v56 =	vld.idx.msk [tilespmem:v0+s19+$0x30 ss:$0x1], $0xffff;
	[tilespmem:s20+$0xFFFFFFE0] =	vst v4  }
0x39: {  	v57 =	vld.idx.msk [tilespmem:v0+s19+$0xFFFFFFC0 ss:$0x1], $0xffff;
	[tilespmem:s20+$0xFFFFFFF0] =	vst v3  }
0x3a: {  	v58 =	vld.idx.msk [tilespmem:v0+s19+$0xFFFFFFD0 ss:$0x1], $0xffff;
	[tilespmem:s20+$0x0] =	vst v1  }
0x3b: {  	v59 =	vld.idx.msk [tilespmem:v0+s19+$0xFFFFFFE0 ss:$0x1], $0xffff;
	[tilespmem:s20+$0x10] =	vst v2  }
0x3c: {  	v60 =	vld.idx.msk [tilespmem:v0+s19+$0xFFFFFFF0 ss:$0x1], $0xffff;
	s31 =	sadd.s32 $0x400, s20;
	[tilespmem:s20+$0x20] =	vst v6  }
0x3d: {  	v61 =	vld.idx.msk [tilespmem:v0+s19+$0x0 ss:$0x1], $0xffff;
	[tilespmem:s31+$0x30] =	vst v56  }
0x3e: {  	v62 =	vld.idx.msk [tilespmem:v0+s19+$0x10 ss:$0x1], $0xffff;
	s18 =	sadd.s32 $0x1, s18;
	[tilespmem:s31+$0xFFFFFFC0] =	vst v57  }
0x3f: {  	v63 =	vld.idx.msk [tilespmem:v0+s19+$0x20 ss:$0x1], $0xffff;
	p1 =	sne.s32 s18, $0x8;
	[tilespmem:s31+$0xFFFFFFD0] =	vst v58  }
.Ltmp4:
0x40: {  	[tilespmem:s31+$0xFFFFFFE0] =	vst v59;
	(pc) =	sbr.rel @p1 .LBB1_4-.Ltmp4, $4  }
0x41: {  	[tilespmem:s31+$0xFFFFFFF0] =	vst v60  }
0x42: {  	[tilespmem:s31+$0x0] =	vst v61  }
0x43: {  	[tilespmem:s31+$0x10] =	vst v62  }
0x44: {  	s16 =	sadd.s32 $0x80, s16;
	s17 =	sadd.s32 $0x400, s17;
	[tilespmem:s31+$0x20] =	vst v63  }
.Ltmp5:
0x45: {  	(pc) =	sbr.rel @p0 .LBB1_3-.Ltmp5, $2  }
0x46: {  	_ =	sdelay $0x2  }
0x47: {  	s16 =	simm.s32 $0x2000;
	p1 =	por $0x0, $0x0  }
.Ltmp6:
0x48: {  	(pc) =	sbr.rel .LBB1_9-.Ltmp6, $4  }
0x49: {  	_ = 	snop  }
0x4a: {  	s12 =	sshll.u32 s12, $0xA  }
0x4b: {  	s12 =	sadd.s32 s4, s12  }
0x4c: {  	[hbm4b:s12+s8] =	stream.linear.scatter [tilespmem:s13], [sflag:$0x2], $0x4000, $0x38;
	[tilespmem:$0x10000] =	vst v63  }
.LBB1_10:
0x4d: {  	_ =	sfence.sel $0x180000  }
0x4e: {  	s2 =	simm.s32 $0x1;
	[bflag:$0x0] =	sbarrier.arrive $0xFFFF  }
0x4f: {  	s31 =	simm.s32 $0x2;
	[sflag:s2] =	ssyncpa.u1 $0x1  }
0x50: {  	[sflag:s31] =	ssyncpa.u1 $0x1  }
0x51: {  	p0 =	sne.s32 s0, $0x0;
	_ =	strace $0x90000047  }
0x52: {  	s0 =	sadd.s32 @!p0 $0x100000, s1;
	[bflag:$0x2] =	sbarrier.arrive $0xFFFF  }
0x53: {  	[sflag:s0] =	ssyncadd.tile.s32 @!p0 $0x1;
	_ =	shalt  }
.Lfunc_end1:
_tile_overlayer_lowered:
.L_overlay_start_2:
0x54: {  	(tag) =	ssettag $0x2  }
0x55: {  	s0 =	rddreg [dreg:$0x0];
	s2 =	stileid.u32  }
0x56: {  	s1 =	rddreg [dreg:$0x1];
	p0 =	sne.s32 s2, $0x0  }
0x57: {  	s3 =	rddreg [dreg:$0x2];
	[bflag:$0x3] =	sbarrier.arrive $0xFFFF;
	s2 =	simm.s32 @!p0 $0x1C01  }
0x58: {  	[timem:s3], [sflag:s2] =	dma.local @!p0 [hbm:s0], s1  }
0x59: {  	s0 =	simm.s32 @!p0 $0x1  }
0x5a: {  	_ =	swait.ge @!p0 [sflag:s0], s1  }
0x5b: {  	s1 =	ssub.s32 @!p0 $0x0, s1;
	[sflag:s0] =	ssyncset.done @!p0 $0x0  }
0x5c: {  	[sflag:s0] =	ssyncadd.s32 @!p0 s1  }
0x5d: {  	[bflag:$0x3] =	sbarrier.arrive $0xFFFF  }
0x5e: {  	_ =	shalt  }

</sc_bundles>
